<compile_context>
chip_gen: v7x
topology: tpu7x:2x2x1
jax: 0.10.2.dev20260603
libtpu: 0.0.44.dev20260713+nightly
codegen_flags: <defaults>
</compile_context>

<pallas_src>
import functools

import jax
import jax.numpy as jnp
from jax import lax
from jax.experimental import pallas as pl
from jax.experimental.pallas import tpu as pltpu
from jax.experimental.pallas import tpu_sc as plsc

_NUM_CODEBOOK = 8192
_DIM = 256
_BETA = 0.25

_TT = 2048
_PREC = jax.lax.Precision.DEFAULT


def _dist_argmin_body(z_ref, z2_ref, cbt_ref, c2_ref, idx_ref):
    zb = (z_ref[...] * -2.0).astype(jnp.bfloat16)
    z2 = z2_ref[...]
    nl = 128
    nj = 16
    ncols = _NUM_CODEBOOK // nj
    run_min = jnp.full((_TT, nl), jnp.inf, jnp.float32)
    run_idx = jnp.zeros((_TT, nl), jnp.float32)
    for j in range(nj):
        jlo = j * ncols
        m_j = lax.dot_general(
            zb, cbt_ref[:, jlo:jlo + ncols], (((1,), (0,)), ((), ())),
            precision=_PREC, preferred_element_type=jnp.float32)
        for k in range(ncols // nl):
            lo = k * nl
            dist_k = ((z2 + c2_ref[:, jlo + lo:jlo + lo + nl])
                      + m_j[:, lo:lo + nl])
            cond = dist_k < run_min
            run_min = jnp.where(cond, dist_k, run_min)
            run_idx = jnp.where(cond, jnp.float32(j * (ncols // nl) + k),
                                run_idx)
    minv = jnp.min(run_min, axis=1, keepdims=True)
    lane = lax.broadcasted_iota(jnp.int32, (_TT, nl), 1).astype(jnp.float32)
    cand = jnp.where(run_min == minv, run_idx * jnp.float32(nl) + lane,
                     jnp.float32(_NUM_CODEBOOK))
    idx_ref[...] = jnp.min(cand, axis=1).astype(jnp.int32)[:, None]


def _dist_argmin(zs, z2, cbt, c2):
    n = zs.shape[0]
    return pl.pallas_call(
        _dist_argmin_body,
        grid=(n // _TT,),
        in_specs=[
            pl.BlockSpec((_TT, _DIM), lambda i: (i, 0)),
            pl.BlockSpec((_TT, 1), lambda i: (i, 0)),
            pl.BlockSpec((_DIM, _NUM_CODEBOOK), lambda i: (0, 0)),
            pl.BlockSpec((1, _NUM_CODEBOOK), lambda i: (0, 0)),
        ],
        out_specs=pl.BlockSpec((_TT, 1), lambda i: (i, 0)),
        out_shape=jax.ShapeDtypeStruct((n, 1), jnp.int32),
    )(zs, z2, cbt, c2)


def _sc_gather(codebook, idx):
    info = plsc.get_sparse_core_info()
    nw = info.num_cores * info.num_subcores
    b = idx.shape[0]
    b_per_w = b // nw
    mesh = plsc.VectorSubcoreMesh(core_axis_name="c", subcore_axis_name="s")

    @functools.partial(
        pl.kernel, mesh=mesh,
        out_type=jax.ShapeDtypeStruct((b, _DIM), codebook.dtype),
        scratch_types=[
            pltpu.VMEM((b_per_w,), jnp.int32),
            pltpu.VMEM((b_per_w, _DIM), codebook.dtype),
            pltpu.SemaphoreType.DMA,
        ],
    )
    def k(table_hbm, idx_hbm, out_hbm, idx_v, rows_v, sem):
        wid = lax.axis_index("s") * info.num_cores + lax.axis_index("c")
        base = wid * b_per_w
        pltpu.sync_copy(idx_hbm.at[pl.ds(base, b_per_w)], idx_v)
        pltpu.async_copy(table_hbm.at[idx_v], rows_v, sem).wait()
        pltpu.sync_copy(rows_v, out_hbm.at[pl.ds(base, b_per_w)])

    return k(codebook, idx)


def _st_loss_body(z_ref, zq_ref, out_ref, loss_ref):
    i = pl.program_id(0)
    z = z_ref[...]
    d = zq_ref[...] - z
    out_ref[...] = z + d

    @pl.when(i == 0)
    def _():
        loss_ref[...] = jnp.zeros_like(loss_ref)

    loss_ref[...] += jnp.sum(d * d).reshape(1, 1)


def _st_loss(z_flat, zq_flat):
    n = z_flat.shape[0]
    return pl.pallas_call(
        _st_loss_body,
        grid=(n // _TT,),
        in_specs=[
            pl.BlockSpec((_TT, _DIM), lambda i: (i, 0)),
            pl.BlockSpec((_TT, _DIM), lambda i: (i, 0)),
        ],
        out_specs=[
            pl.BlockSpec((_TT, _DIM), lambda i: (i, 0)),
            pl.BlockSpec((1, 1), lambda i: (0, 0)),
        ],
        out_shape=[
            jax.ShapeDtypeStruct((n, _DIM), jnp.float32),
            jax.ShapeDtypeStruct((1, 1), jnp.float32),
        ],
    )(z_flat, zq_flat)


def _local_pipeline(z_l, codebook):
    b, C, H, W = z_l.shape
    z_perm = jnp.transpose(z_l, (0, 2, 3, 1))
    z_flat = z_perm.reshape(-1, C)
    z2 = jnp.sum(z_flat ** 2, axis=1, keepdims=True)
    c2 = jnp.sum(codebook ** 2, axis=1).reshape(1, -1)
    cbt = codebook.T.astype(jnp.bfloat16)

    idx = _dist_argmin(z_flat, z2, cbt, c2)
    zq_flat = _sc_gather(codebook, idx.reshape(-1))
    zq_st_flat, loss_sum = _st_loss(z_flat, zq_flat)
    z_q_st = jnp.transpose(zq_st_flat.reshape(b, H, W, C), (0, 3, 1, 2))
    return z_q_st, loss_sum


def kernel(z, codebook):
    z_q_st, loss_part = _local_pipeline(z, codebook)
    loss_sum = loss_part[0, 0]
    m1 = loss_sum / z.size
    commit_loss = m1 + _BETA * m1
    return (z_q_st, commit_loss)

# --- scband reference (transcript-rebuilt; emitter-appended) ---
"""Pipeline reference for scband-vector-quantizer-64467459113392 (READ-ONLY COPY).

The authoritative reference and input builder live on the scoring server;
editing this copy changes nothing except your own understanding.
"""

import jax, jax.numpy as jnp
import numpy as np

NUM_CODEBOOK = 8192
DIM = 256
BETA = 0.25

def setup_inputs(seed: int = 0) -> dict:
    key = jax.random.key(seed)
    k1, k2 = jax.random.split(key)
    z = jax.random.normal(k1, (8, 256, 32, 32), dtype=jnp.float32)
    codebook = jax.random.uniform(k2, (NUM_CODEBOOK, DIM), dtype=jnp.float32,
                                  minval=-1.0 / NUM_CODEBOOK, maxval=1.0 / NUM_CODEBOOK)
    return {"z": z, "codebook": codebook}

def reference(z, codebook):
    B, C, H, W = z.shape
    z_perm = jnp.transpose(z, (0, 2, 3, 1))
    z_flat = z_perm.reshape(-1, C)
    dist = (jnp.sum(z_flat ** 2, axis=1, keepdims=True)
            + jnp.sum(codebook ** 2, axis=1)
            - 2.0 * jnp.matmul(z_flat, codebook.T))
    idx = jnp.argmin(dist, axis=-1)
    z_q = jnp.take(codebook, idx, axis=0).reshape(z_perm.shape)
    z_q = jnp.transpose(z_q, (0, 3, 1, 2))
    commit_loss = (jnp.mean((jax.lax.stop_gradient(z_q) - z) ** 2)
                   + BETA * jnp.mean((z_q - jax.lax.stop_gradient(z)) ** 2))
    z_q_st = z + jax.lax.stop_gradient(z_q - z)
    return (z_q_st, commit_loss)

if __name__ == "__main__":
    import jax
    _d = setup_inputs()
    print(jax.jit(kernel)(*tuple(_d.values())))

</pallas_src>

<mosaic_0001>
#map = affine_map<(d0, d1) -> (0, 0)>
#map1 = affine_map<(d0, d1) -> (0)>
module attributes {stable_mosaic.version = 14 : i64} {
  func.func @k(%arg0: i32, %arg1: i32, %arg2: memref<8192x256xf32, #tpu.memory_space<hbm>>, %arg3: memref<8192xi32, #tpu.memory_space<hbm>>, %arg4: memref<8192x256xf32, #tpu.memory_space<hbm>>, %arg5: memref<256xi32, #tpu.memory_space<vmem>>, %arg6: memref<256x256xf32, #tpu.memory_space<vmem>>, %arg7: memref<!tpu.dma_semaphore, #tpu.memory_space<semaphore_mem>>) attributes {dimension_semantics = [#tpu.dimension_semantics<core_parallel>, #tpu.dimension_semantics<subcore_parallel>], iteration_bounds = array<i64: 2, 16>, scalar_prefetch = 0 : i64, scratch_operands = 3 : i64, tpu.core_type = #tpu.core_type<sc_vector_subcore>, window_params = [{transform_indices = #map}, {transform_indices = #map1}, {transform_indices = #map}]} {
    %mul3A = arith.constant 2 : i32
    %mul3A_0 = arith.muli %arg1, %mul3A : i32
    %add3A = arith.addi %mul3A_0, %arg0 : i32
    %mul3A_1 = arith.constant 256 : i32
    %mul3A_2 = arith.muli %add3A, %mul3A_1 : i32
    "tpu.region"() ({
      %run_scoped3A = tpu.sem_alloc : memref<!tpu.dma_semaphore, #tpu.memory_space<semaphore_mem>>
      %dma_start3A_7 = tpu.memref_slice %arg3[%mul3A_2] : memref<8192xi32, #tpu.memory_space<hbm>> -> memref<256xi32, #tpu.memory_space<hbm>>
      %dma_start3A_8 = tpu.memref_slice %arg3[%mul3A_2] : memref<8192xi32, #tpu.memory_space<hbm>> -> memref<256xi32, #tpu.memory_space<hbm>>
      tpu.enqueue_dma source(%dma_start3A_8 : memref<256xi32, #tpu.memory_space<hbm>>) target(%arg5 : memref<256xi32, #tpu.memory_space<vmem>>) target_semaphore(%run_scoped3A : memref<!tpu.dma_semaphore, #tpu.memory_space<semaphore_mem>>)
      %dma_wait3A_9 = tpu.memref_slice %arg3[%mul3A_2] : memref<8192xi32, #tpu.memory_space<hbm>> -> memref<256xi32, #tpu.memory_space<hbm>>
      %dma_wait3A_10 = tpu.memref_slice %arg3[%mul3A_2] : memref<8192xi32, #tpu.memory_space<hbm>> -> memref<256xi32, #tpu.memory_space<hbm>>
      tpu.wait_dma2 semaphore(%run_scoped3A : memref<!tpu.dma_semaphore, #tpu.memory_space<semaphore_mem>>) src(%dma_wait3A_10 : memref<256xi32, #tpu.memory_space<hbm>>) dst(%arg5 : memref<256xi32, #tpu.memory_space<vmem>>)
      tpu.yield
    }) : () -> ()
    %dma_start3A = arith.constant 0 : i32
    %dma_start3A_3 = arith.constant 0 : i32
    %dma_start3A_4 = tpu.memref_slice %arg2[%dma_start3A, %dma_start3A_3] : memref<8192x256xf32, #tpu.memory_space<hbm>> -> memref<8192x256xf32, #tpu.memory_space<hbm>>
    tpu.enqueue_indirect_dma source(%dma_start3A_4 : memref<8192x256xf32, #tpu.memory_space<hbm>>) target(%arg6 : memref<256x256xf32, #tpu.memory_space<vmem>>) offsets(%arg5 : memref<256xi32, #tpu.memory_space<vmem>>) semaphore(%arg7 : memref<!tpu.dma_semaphore, #tpu.memory_space<semaphore_mem>>)
    %dma_wait3A = arith.constant 0 : i32
    %dma_wait3A_5 = arith.constant 0 : i32
    %dma_wait3A_6 = tpu.memref_slice %arg2[%dma_wait3A, %dma_wait3A_5] : memref<8192x256xf32, #tpu.memory_space<hbm>> -> memref<8192x256xf32, #tpu.memory_space<hbm>>
    tpu.wait_indirect_dma semaphore(%arg7 : memref<!tpu.dma_semaphore, #tpu.memory_space<semaphore_mem>>) src(%dma_wait3A_6 : memref<8192x256xf32, #tpu.memory_space<hbm>>) dst(%arg6 : memref<256x256xf32, #tpu.memory_space<vmem>>)
    "tpu.region"() ({
      %run_scoped3A = tpu.sem_alloc : memref<!tpu.dma_semaphore, #tpu.memory_space<semaphore_mem>>
      %dma_start3A_7 = arith.constant 0 : i32
      %dma_start3A_8 = tpu.memref_slice %arg4[%mul3A_2, %dma_start3A_7] : memref<8192x256xf32, #tpu.memory_space<hbm>> -> memref<256x256xf32, #tpu.memory_space<hbm>>
      %dma_start3A_9 = arith.constant 0 : i32
      %dma_start3A_10 = tpu.memref_slice %arg4[%mul3A_2, %dma_start3A_9] : memref<8192x256xf32, #tpu.memory_space<hbm>> -> memref<256x256xf32, #tpu.memory_space<hbm>>
      tpu.enqueue_dma source(%arg6 : memref<256x256xf32, #tpu.memory_space<vmem>>) target(%dma_start3A_10 : memref<256x256xf32, #tpu.memory_space<hbm>>) target_semaphore(%run_scoped3A : memref<!tpu.dma_semaphore, #tpu.memory_space<semaphore_mem>>)
      %dma_wait3A_11 = arith.constant 0 : i32
      %dma_wait3A_12 = tpu.memref_slice %arg4[%mul3A_2, %dma_wait3A_11] : memref<8192x256xf32, #tpu.memory_space<hbm>> -> memref<256x256xf32, #tpu.memory_space<hbm>>
      %dma_wait3A_13 = arith.constant 0 : i32
      %dma_wait3A_14 = tpu.memref_slice %arg4[%mul3A_2, %dma_wait3A_13] : memref<8192x256xf32, #tpu.memory_space<hbm>> -> memref<256x256xf32, #tpu.memory_space<hbm>>
      tpu.wait_dma2 semaphore(%run_scoped3A : memref<!tpu.dma_semaphore, #tpu.memory_space<semaphore_mem>>) src(%arg6 : memref<256x256xf32, #tpu.memory_space<vmem>>) dst(%dma_wait3A_14 : memref<256x256xf32, #tpu.memory_space<hbm>>)
      tpu.yield
    }) : () -> ()
    return
  }
}

module attributes {stable_mosaic.version = 14 : i64} {
  func.func @_dist_argmin_body(%arg0: i32, %arg1: memref<2048x256xf32, #tpu.memory_space<vmem>>, %arg2: memref<2048x1xf32, #tpu.memory_space<vmem>>, %arg3: memref<256x8192xbf16, #tpu.memory_space<vmem>>, %arg4: memref<1x8192xf32, #tpu.memory_space<vmem>>, %arg5: memref<2048x1xi32, #tpu.memory_space<vmem>>) attributes {dimension_semantics = [#tpu.dimension_semantics<arbitrary>], iteration_bounds = array<i64: 4>, scalar_prefetch = 0 : i64, scratch_operands = 0 : i64, tpu.core_type = #tpu.core_type<tc>, window_params = [{transform_indices = @transform_0, window_bounds = array<i64: 2048, 256>}, {transform_indices = @transform_1, window_bounds = array<i64: 2048, 1>}, {pipeline_mode = #tpu.pipeline_mode<synchronous>, transform_indices = @transform_2, window_bounds = array<i64: 256, 8192>}, {pipeline_mode = #tpu.pipeline_mode<synchronous>, transform_indices = @transform_3, window_bounds = array<i64: 1, 8192>}, {transform_indices = @transform_4, window_bounds = array<i64: 2048, 1>}]} {
    %get3A = arith.constant 0 : index
    %get3A_0 = arith.constant 0 : index
    %get3A_1 = vector.load %arg1[%get3A, %get3A_0] : memref<2048x256xf32, #tpu.memory_space<vmem>>, vector<2048x256xf32>
    %mul3A = arith.constant -2.000000e+00 : f32
    %mul3A_2 = vector.broadcast %mul3A : f32 to vector<2048x256xf32>
    %mul3A_3 = arith.mulf %get3A_1, %mul3A_2 : vector<2048x256xf32>
    %convert_element_type3A = arith.truncf %mul3A_3 : vector<2048x256xf32> to vector<2048x256xbf16>
    %get3A_4 = arith.constant 0 : index
    %get3A_5 = arith.constant 0 : index
    %get3A_6 = vector.load %arg2[%get3A_4, %get3A_5] : memref<2048x1xf32, #tpu.memory_space<vmem>>, vector<2048x1xf32>
    %broadcast_in_dim3A = arith.constant 0x7F800000 : f32
    %broadcast_in_dim3A_7 = vector.broadcast %broadcast_in_dim3A : f32 to vector<2048x128xf32>
    %broadcast_in_dim3A_8 = arith.constant 0.000000e+00 : f32
    %broadcast_in_dim3A_9 = vector.broadcast %broadcast_in_dim3A_8 : f32 to vector<2048x128xf32>
    %get3A_10 = arith.constant 0 : index
    %get3A_11 = arith.constant 0 : index
    %get3A_12 = vector.load %arg3[%get3A_10, %get3A_11] : memref<256x8192xbf16, #tpu.memory_space<vmem>>, vector<256x512xbf16>
    %dot_general3A = arith.constant dense<0.000000e+00> : vector<2048x512xf32>
    %dot_general3A_13 = tpu.matmul %convert_element_type3A, %get3A_12, %dot_general3A {dimension_numbers = #tpu.dot_dimension_numbers<[1], [0], [0], [1], [0, 0, 1, 1], [], []>, transpose_lhs_hint = false} : vector<2048x256xbf16>, vector<256x512xbf16>, vector<2048x512xf32> -> vector<2048x512xf32>
    %get3A_14 = arith.constant 0 : index
    %get3A_15 = arith.constant 0 : index
    %get3A_16 = vector.load %arg4[%get3A_14, %get3A_15] : memref<1x8192xf32, #tpu.memory_space<vmem>>, vector<1x128xf32>
    %add3A = vector.broadcast %get3A_6 : vector<2048x1xf32> to vector<2048x128xf32>
    %add3A_17 = vector.broadcast %get3A_16 : vector<1x128xf32> to vector<2048x128xf32>
    %add3A_18 = arith.addf %add3A, %add3A_17 : vector<2048x128xf32>
    %slice3A = vector.extract_strided_slice %dot_general3A_13 {offsets = [0, 0], sizes = [2048, 128], strides = [1, 1]} : vector<2048x512xf32> to vector<2048x128xf32>
    %add3A_19 = arith.addf %add3A_18, %slice3A : vector<2048x128xf32>
    %lt3A = arith.cmpf olt, %add3A_19, %broadcast_in_dim3A_7 : vector<2048x128xf32>
    %select_n3A = arith.select %lt3A, %add3A_19, %broadcast_in_dim3A_7 : vector<2048x128xi1>, vector<2048x128xf32>
    %jit3A = arith.constant 0.000000e+00 : f32
    %broadcast_in_dim3A_20 = vector.broadcast %jit3A : f32 to vector<2048x128xf32>
    %select_n3A_21 = arith.select %lt3A, %broadcast_in_dim3A_20, %broadcast_in_dim3A_9 : vector<2048x128xi1>, vector<2048x128xf32>
    %get3A_22 = arith.constant 0 : index
    %get3A_23 = arith.constant 128 : index
    %get3A_24 = vector.load %arg4[%get3A_22, %get3A_23] : memref<1x8192xf32, #tpu.memory_space<vmem>>, vector<1x128xf32>
    %add3A_25 = vector.broadcast %get3A_6 : vector<2048x1xf32> to vector<2048x128xf32>
    %add3A_26 = vector.broadcast %get3A_24 : vector<1x128xf32> to vector<2048x128xf32>
    %add3A_27 = arith.addf %add3A_25, %add3A_26 : vector<2048x128xf32>
    %slice3A_28 = vector.extract_strided_slice %dot_general3A_13 {offsets = [0, 128], sizes = [2048, 128], strides = [1, 1]} : vector<2048x512xf32> to vector<2048x128xf32>
    %add3A_29 = arith.addf %add3A_27, %slice3A_28 : vector<2048x128xf32>
    %lt3A_30 = arith.cmpf olt, %add3A_29, %select_n3A : vector<2048x128xf32>
    %select_n3A_31 = arith.select %lt3A_30, %add3A_29, %select_n3A : vector<2048x128xi1>, vector<2048x128xf32>
    %jit3A_32 = arith.constant 1.000000e+00 : f32
    %broadcast_in_dim3A_33 = vector.broadcast %jit3A_32 : f32 to vector<2048x128xf32>
    %select_n3A_34 = arith.select %lt3A_30, %broadcast_in_dim3A_33, %select_n3A_21 : vector<2048x128xi1>, vector<2048x128xf32>
    %get3A_35 = arith.constant 0 : index
    %get3A_36 = arith.constant 256 : index
    %get3A_37 = vector.load %arg4[%get3A_35, %get3A_36] : memref<1x8192xf32, #tpu.memory_space<vmem>>, vector<1x128xf32>
    %add3A_38 = vector.broadcast %get3A_6 : vector<2048x1xf32> to vector<2048x128xf32>
    %add3A_39 = vector.broadcast %get3A_37 : vector<1x128xf32> to vector<2048x128xf32>
    %add3A_40 = arith.addf %add3A_38, %add3A_39 : vector<2048x128xf32>
    %slice3A_41 = vector.extract_strided_slice %dot_general3A_13 {offsets = [0, 256], sizes = [2048, 128], strides = [1, 1]} : vector<2048x512xf32> to vector<2048x128xf32>
    %add3A_42 = arith.addf %add3A_40, %slice3A_41 : vector<2048x128xf32>
    %lt3A_43 = arith.cmpf olt, %add3A_42, %select_n3A_31 : vector<2048x128xf32>
    %select_n3A_44 = arith.select %lt3A_43, %add3A_42, %select_n3A_31 : vector<2048x128xi1>, vector<2048x128xf32>
    %jit3A_45 = arith.constant 2.000000e+00 : f32
    %broadcast_in_dim3A_46 = vector.broadcast %jit3A_45 : f32 to vector<2048x128xf32>
    %select_n3A_47 = arith.select %lt3A_43, %broadcast_in_dim3A_46, %select_n3A_34 : vector<2048x128xi1>, vector<2048x128xf32>
    %get3A_48 = arith.constant 0 : index
    %get3A_49 = arith.constant 384 : index
    %get3A_50 = vector.load %arg4[%get3A_48, %get3A_49] : memref<1x8192xf32, #tpu.memory_space<vmem>>, vector<1x128xf32>
    %add3A_51 = vector.broadcast %get3A_6 : vector<2048x1xf32> to vector<2048x128xf32>
    %add3A_52 = vector.broadcast %get3A_50 : vector<1x128xf32> to vector<2048x128xf32>
    %add3A_53 = arith.addf %add3A_51, %add3A_52 : vector<2048x128xf32>
    %slice3A_54 = vector.extract_strided_slice %dot_general3A_13 {offsets = [0, 384], sizes = [2048, 128], strides = [1, 1]} : vector<2048x512xf32> to vector<2048x128xf32>
    %add3A_55 = arith.addf %add3A_53, %slice3A_54 : vector<2048x128xf32>
    %lt3A_56 = arith.cmpf olt, %add3A_55, %select_n3A_44 : vector<2048x128xf32>
    %select_n3A_57 = arith.select %lt3A_56, %add3A_55, %select_n3A_44 : vector<2048x128xi1>, vector<2048x128xf32>
    %jit3A_58 = arith.constant 3.000000e+00 : f32
    %broadcast_in_dim3A_59 = vector.broadcast %jit3A_58 : f32 to vector<2048x128xf32>
    %select_n3A_60 = arith.select %lt3A_56, %broadcast_in_dim3A_59, %select_n3A_47 : vector<2048x128xi1>, vector<2048x128xf32>
    %get3A_61 = arith.constant 0 : index
    %get3A_62 = arith.constant 512 : index
    %get3A_63 = vector.load %arg3[%get3A_61, %get3A_62] : memref<256x8192xbf16, #tpu.memory_space<vmem>>, vector<256x512xbf16>
    %dot_general3A_64 = arith.constant dense<0.000000e+00> : vector<2048x512xf32>
    %dot_general3A_65 = tpu.matmul %convert_element_type3A, %get3A_63, %dot_general3A_64 {dimension_numbers = #tpu.dot_dimension_numbers<[1], [0], [0], [1], [0, 0, 1, 1], [], []>, transpose_lhs_hint = false} : vector<2048x256xbf16>, vector<256x512xbf16>, vector<2048x512xf32> -> vector<2048x512xf32>
    %get3A_66 = arith.constant 0 : index
    %get3A_67 = arith.constant 512 : index
    %get3A_68 = vector.load %arg4[%get3A_66, %get3A_67] : memref<1x8192xf32, #tpu.memory_space<vmem>>, vector<1x128xf32>
    %add3A_69 = vector.broadcast %get3A_6 : vector<2048x1xf32> to vector<2048x128xf32>
    %add3A_70 = vector.broadcast %get3A_68 : vector<1x128xf32> to vector<2048x128xf32>
    %add3A_71 = arith.addf %add3A_69, %add3A_70 : vector<2048x128xf32>
    %slice3A_72 = vector.extract_strided_slice %dot_general3A_65 {offsets = [0, 0], sizes = [2048, 128], strides = [1, 1]} : vector<2048x512xf32> to vector<2048x128xf32>
    %add3A_73 = arith.addf %add3A_71, %slice3A_72 : vector<2048x128xf32>
    %lt3A_74 = arith.cmpf olt, %add3A_73, %select_n3A_57 : vector<2048x128xf32>
    %select_n3A_75 = arith.select %lt3A_74, %add3A_73, %select_n3A_57 : vector<2048x128xi1>, vector<2048x128xf32>
    %jit3A_76 = arith.constant 4.000000e+00 : f32
    %broadcast_in_dim3A_77 = vector.broadcast %jit3A_76 : f32 to vector<2048x128xf32>
    %select_n3A_78 = arith.select %lt3A_74, %broadcast_in_dim3A_77, %select_n3A_60 : vector<2048x128xi1>, vector<2048x128xf32>
    %get3A_79 = arith.constant 0 : index
    %get3A_80 = arith.constant 640 : index
    %get3A_81 = vector.load %arg4[%get3A_79, %get3A_80] : memref<1x8192xf32, #tpu.memory_space<vmem>>, vector<1x128xf32>
    %add3A_82 = vector.broadcast %get3A_6 : vector<2048x1xf32> to vector<2048x128xf32>
    %add3A_83 = vector.broadcast %get3A_81 : vector<1x128xf32> to vector<2048x128xf32>
    %add3A_84 = arith.addf %add3A_82, %add3A_83 : vector<2048x128xf32>
    %slice3A_85 = vector.extract_strided_slice %dot_general3A_65 {offsets = [0, 128], sizes = [2048, 128], strides = [1, 1]} : vector<2048x512xf32> to vector<2048x128xf32>
    %add3A_86 = arith.addf %add3A_84, %slice3A_85 : vector<2048x128xf32>
    %lt3A_87 = arith.cmpf olt, %add3A_86, %select_n3A_75 : vector<2048x128xf32>
    %select_n3A_88 = arith.select %lt3A_87, %add3A_86, %select_n3A_75 : vector<2048x128xi1>, vector<2048x128xf32>
    %jit3A_89 = arith.constant 5.000000e+00 : f32
    %broadcast_in_dim3A_90 = vector.broadcast %jit3A_89 : f32 to vector<2048x128xf32>
    %select_n3A_91 = arith.select %lt3A_87, %broadcast_in_dim3A_90, %select_n3A_78 : vector<2048x128xi1>, vector<2048x128xf32>
    %get3A_92 = arith.constant 0 : index
    %get3A_93 = arith.constant 768 : index
    %get3A_94 = vector.load %arg4[%get3A_92, %get3A_93] : memref<1x8192xf32, #tpu.memory_space<vmem>>, vector<1x128xf32>
    %add3A_95 = vector.broadcast %get3A_6 : vector<2048x1xf32> to vector<2048x128xf32>
    %add3A_96 = vector.broadcast %get3A_94 : vector<1x128xf32> to vector<2048x128xf32>
    %add3A_97 = arith.addf %add3A_95, %add3A_96 : vector<2048x128xf32>
    %slice3A_98 = vector.extract_strided_slice %dot_general3A_65 {offsets = [0, 256], sizes = [2048, 128], strides = [1, 1]} : vector<2048x512xf32> to vector<2048x128xf32>
    %add3A_99 = arith.addf %add3A_97, %slice3A_98 : vector<2048x128xf32>
    %lt3A_100 = arith.cmpf olt, %add3A_99, %select_n3A_88 : vector<2048x128xf32>
    %select_n3A_101 = arith.select %lt3A_100, %add3A_99, %select_n3A_88 : vector<2048x128xi1>, vector<2048x128xf32>
    %jit3A_102 = arith.constant 6.000000e+00 : f32
    %broadcast_in_dim3A_103 = vector.broadcast %jit3A_102 : f32 to vector<2048x128xf32>
    %select_n3A_104 = arith.select %lt3A_100, %broadcast_in_dim3A_103, %select_n3A_91 : vector<2048x128xi1>, vector<2048x128xf32>
    %get3A_105 = arith.constant 0 : index
    %get3A_106 = arith.constant 896 : index
    %get3A_107 = vector.load %arg4[%get3A_105, %get3A_106] : memref<1x8192xf32, #tpu.memory_space<vmem>>, vector<1x128xf32>
    %add3A_108 = vector.broadcast %get3A_6 : vector<2048x1xf32> to vector<2048x128xf32>
    %add3A_109 = vector.broadcast %get3A_107 : vector<1x128xf32> to vector<2048x128xf32>
    %add3A_110 = arith.addf %add3A_108, %add3A_109 : vector<2048x128xf32>
    %slice3A_111 = vector.extract_strided_slice %dot_general3A_65 {offsets = [0, 384], sizes = [2048, 128], strides = [1, 1]} : vector<2048x512xf32> to vector<2048x128xf32>
    %add3A_112 = arith.addf %add3A_110, %slice3A_111 : vector<2048x128xf32>
    %lt3A_113 = arith.cmpf olt, %add3A_112, %select_n3A_101 : vector<2048x128xf32>
    %select_n3A_114 = arith.select %lt3A_113, %add3A_112, %select_n3A_101 : vector<2048x128xi1>, vector<2048x128xf32>
    %jit3A_115 = arith.constant 7.000000e+00 : f32
    %broadcast_in_dim3A_116 = vector.broadcast %jit3A_115 : f32 to vector<2048x128xf32>
    %select_n3A_117 = arith.select %lt3A_113, %broadcast_in_dim3A_116, %select_n3A_104 : vector<2048x128xi1>, vector<2048x128xf32>
    %get3A_118 = arith.constant 0 : index
    %get3A_119 = arith.constant 1024 : index
    %get3A_120 = vector.load %arg3[%get3A_118, %get3A_119] : memref<256x8192xbf16, #tpu.memory_space<vmem>>, vector<256x512xbf16>
    %dot_general3A_121 = arith.constant dense<0.000000e+00> : vector<2048x512xf32>
    %dot_general3A_122 = tpu.matmul %convert_element_type3A, %get3A_120, %dot_general3A_121 {dimension_numbers = #tpu.dot_dimension_numbers<[1], [0], [0], [1], [0, 0, 1, 1], [], []>, transpose_lhs_hint = false} : vector<2048x256xbf16>, vector<256x512xbf16>, vector<2048x512xf32> -> vector<2048x512xf32>
    %get3A_123 = arith.constant 0 : index
    %get3A_124 = arith.constant 1024 : index
    %get3A_125 = vector.load %arg4[%get3A_123, %get3A_124] : memref<1x8192xf32, #tpu.memory_space<vmem>>, vector<1x128xf32>
    %add3A_126 = vector.broadcast %get3A_6 : vector<2048x1xf32> to vector<2048x128xf32>
    %add3A_127 = vector.broadcast %get3A_125 : vector<1x128xf32> to vector<2048x128xf32>
    %add3A_128 = arith.addf %add3A_126, %add3A_127 : vector<2048x128xf32>
    %slice3A_129 = vector.extract_strided_slice %dot_general3A_122 {offsets = [0, 0], sizes = [2048, 128], strides = [1, 1]} : vector<2048x512xf32> to vector<2048x128xf32>
    %add3A_130 = arith.addf %add3A_128, %slice3A_129 : vector<2048x128xf32>
    %lt3A_131 = arith.cmpf olt, %add3A_130, %select_n3A_114 : vector<2048x128xf32>
    %select_n3A_132 = arith.select %lt3A_131, %add3A_130, %select_n3A_114 : vector<2048x128xi1>, vector<2048x128xf32>
    %jit3A_133 = arith.constant 8.000000e+00 : f32
    %broadcast_in_dim3A_134 = vector.broadcast %jit3A_133 : f32 to vector<2048x128xf32>
    %select_n3A_135 = arith.select %lt3A_131, %broadcast_in_dim3A_134, %select_n3A_117 : vector<2048x128xi1>, vector<2048x128xf32>
    %get3A_136 = arith.constant 0 : index
    %get3A_137 = arith.constant 1152 : index
    %get3A_138 = vector.load %arg4[%get3A_136, %get3A_137] : memref<1x8192xf32, #tpu.memory_space<vmem>>, vector<1x128xf32>
    %add3A_139 = vector.broadcast %get3A_6 : vector<2048x1xf32> to vector<2048x128xf32>
    %add3A_140 = vector.broadcast %get3A_138 : vector<1x128xf32> to vector<2048x128xf32>
    %add3A_141 = arith.addf %add3A_139, %add3A_140 : vector<2048x128xf32>
    %slice3A_142 = vector.extract_strided_slice %dot_general3A_122 {offsets = [0, 128], sizes = [2048, 128], strides = [1, 1]} : vector<2048x512xf32> to vector<2048x128xf32>
    %add3A_143 = arith.addf %add3A_141, %slice3A_142 : vector<2048x128xf32>
    %lt3A_144 = arith.cmpf olt, %add3A_143, %select_n3A_132 : vector<2048x128xf32>
    %select_n3A_145 = arith.select %lt3A_144, %add3A_143, %select_n3A_132 : vector<2048x128xi1>, vector<2048x128xf32>
    %jit3A_146 = arith.constant 9.000000e+00 : f32
    %broadcast_in_dim3A_147 = vector.broadcast %jit3A_146 : f32 to vector<2048x128xf32>
    %select_n3A_148 = arith.select %lt3A_144, %broadcast_in_dim3A_147, %select_n3A_135 : vector<2048x128xi1>, vector<2048x128xf32>
    %get3A_149 = arith.constant 0 : index
    %get3A_150 = arith.constant 1280 : index
    %get3A_151 = vector.load %arg4[%get3A_149, %get3A_150] : memref<1x8192xf32, #tpu.memory_space<vmem>>, vector<1x128xf32>
    %add3A_152 = vector.broadcast %get3A_6 : vector<2048x1xf32> to vector<2048x128xf32>
    %add3A_153 = vector.broadcast %get3A_151 : vector<1x128xf32> to vector<2048x128xf32>
    %add3A_154 = arith.addf %add3A_152, %add3A_153 : vector<2048x128xf32>
    %slice3A_155 = vector.extract_strided_slice %dot_general3A_122 {offsets = [0, 256], sizes = [2048, 128], strides = [1, 1]} : vector<2048x512xf32> to vector<2048x128xf32>
    %add3A_156 = arith.addf %add3A_154, %slice3A_155 : vector<2048x128xf32>
    %lt3A_157 = arith.cmpf olt, %add3A_156, %select_n3A_145 : vector<2048x128xf32>
    %select_n3A_158 = arith.select %lt3A_157, %add3A_156, %select_n3A_145 : vector<2048x128xi1>, vector<2048x128xf32>
    %jit3A_159 = arith.constant 1.000000e+01 : f32
    %broadcast_in_dim3A_160 = vector.broadcast %jit3A_159 : f32 to vector<2048x128xf32>
    %select_n3A_161 = arith.select %lt3A_157, %broadcast_in_dim3A_160, %select_n3A_148 : vector<2048x128xi1>, vector<2048x128xf32>
    %get3A_162 = arith.constant 0 : index
    %get3A_163 = arith.constant 1408 : index
    %get3A_164 = vector.load %arg4[%get3A_162, %get3A_163] : memref<1x8192xf32, #tpu.memory_space<vmem>>, vector<1x128xf32>
    %add3A_165 = vector.broadcast %get3A_6 : vector<2048x1xf32> to vector<2048x128xf32>
    %add3A_166 = vector.broadcast %get3A_164 : vector<1x128xf32> to vector<2048x128xf32>
    %add3A_167 = arith.addf %add3A_165, %add3A_166 : vector<2048x128xf32>
    %slice3A_168 = vector.extract_strided_slice %dot_general3A_122 {offsets = [0, 384], sizes = [2048, 128], strides = [1, 1]} : vector<2048x512xf32> to vector<2048x128xf32>
    %add3A_169 = arith.addf %add3A_167, %slice3A_168 : vector<2048x128xf32>
    %lt3A_170 = arith.cmpf olt, %add3A_169, %select_n3A_158 : vector<2048x128xf32>
    %select_n3A_171 = arith.select %lt3A_170, %add3A_169, %select_n3A_158 : vector<2048x128xi1>, vector<2048x128xf32>
    %jit3A_172 = arith.constant 1.100000e+01 : f32
    %broadcast_in_dim3A_173 = vector.broadcast %jit3A_172 : f32 to vector<2048x128xf32>
    %select_n3A_174 = arith.select %lt3A_170, %broadcast_in_dim3A_173, %select_n3A_161 : vector<2048x128xi1>, vector<2048x128xf32>
    %get3A_175 = arith.constant 0 : index
    %get3A_176 = arith.constant 1536 : index
    %get3A_177 = vector.load %arg3[%get3A_175, %get3A_176] : memref<256x8192xbf16, #tpu.memory_space<vmem>>, vector<256x512xbf16>
    %dot_general3A_178 = arith.constant dense<0.000000e+00> : vector<2048x512xf32>
    %dot_general3A_179 = tpu.matmul %convert_element_type3A, %get3A_177, %dot_general3A_178 {dimension_numbers = #tpu.dot_dimension_numbers<[1], [0], [0], [1], [0, 0, 1, 1], [], []>, transpose_lhs_hint = false} : vector<2048x256xbf16>, vector<256x512xbf16>, vector<2048x512xf32> -> vector<2048x512xf32>
    %get3A_180 = arith.constant 0 : index
    %get3A_181 = arith.constant 1536 : index
    %get3A_182 = vector.load %arg4[%get3A_180, %get3A_181] : memref<1x8192xf32, #tpu.memory_space<vmem>>, vector<1x128xf32>
    %add3A_183 = vector.broadcast %get3A_6 : vector<2048x1xf32> to vector<2048x128xf32>
    %add3A_184 = vector.broadcast %get3A_182 : vector<1x128xf32> to vector<2048x128xf32>
    %add3A_185 = arith.addf %add3A_183, %add3A_184 : vector<2048x128xf32>
    %slice3A_186 = vector.extract_strided_slice %dot_general3A_179 {offsets = [0, 0], sizes = [2048, 128], strides = [1, 1]} : vector<2048x512xf32> to vector<2048x128xf32>
    %add3A_187 = arith.addf %add3A_185, %slice3A_186 : vector<2048x128xf32>
    %lt3A_188 = arith.cmpf olt, %add3A_187, %select_n3A_171 : vector<2048x128xf32>
    %select_n3A_189 = arith.select %lt3A_188, %add3A_187, %select_n3A_171 : vector<2048x128xi1>, vector<2048x128xf32>
    %jit3A_190 = arith.constant 1.200000e+01 : f32
    %broadcast_in_dim3A_191 = vector.broadcast %jit3A_190 : f32 to vector<2048x128xf32>
    %select_n3A_192 = arith.select %lt3A_188, %broadcast_in_dim3A_191, %select_n3A_174 : vector<2048x128xi1>, vector<2048x128xf32>
    %get3A_193 = arith.constant 0 : index
    %get3A_194 = arith.constant 1664 : index
    %get3A_195 = vector.load %arg4[%get3A_193, %get3A_194] : memref<1x8192xf32, #tpu.memory_space<vmem>>, vector<1x128xf32>
    %add3A_196 = vector.broadcast %get3A_6 : vector<2048x1xf32> to vector<2048x128xf32>
    %add3A_197 = vector.broadcast %get3A_195 : vector<1x128xf32> to vector<2048x128xf32>
    %add3A_198 = arith.addf %add3A_196, %add3A_197 : vector<2048x128xf32>
    %slice3A_199 = vector.extract_strided_slice %dot_general3A_179 {offsets = [0, 128], sizes = [2048, 128], strides = [1, 1]} : vector<2048x512xf32> to vector<2048x128xf32>
    %add3A_200 = arith.addf %add3A_198, %slice3A_199 : vector<2048x128xf32>
    %lt3A_201 = arith.cmpf olt, %add3A_200, %select_n3A_189 : vector<2048x128xf32>
    %select_n3A_202 = arith.select %lt3A_201, %add3A_200, %select_n3A_189 : vector<2048x128xi1>, vector<2048x128xf32>
    %jit3A_203 = arith.constant 1.300000e+01 : f32
    %broadcast_in_dim3A_204 = vector.broadcast %jit3A_203 : f32 to vector<2048x128xf32>
    %select_n3A_205 = arith.select %lt3A_201, %broadcast_in_dim3A_204, %select_n3A_192 : vector<2048x128xi1>, vector<2048x128xf32>
    %get3A_206 = arith.constant 0 : index
    %get3A_207 = arith.constant 1792 : index
    %get3A_208 = vector.load %arg4[%get3A_206, %get3A_207] : memref<1x8192xf32, #tpu.memory_space<vmem>>, vector<1x128xf32>
    %add3A_209 = vector.broadcast %get3A_6 : vector<2048x1xf32> to vector<2048x128xf32>
    %add3A_210 = vector.broadcast %get3A_208 : vector<1x128xf32> to vector<2048x128xf32>
    %add3A_211 = arith.addf %add3A_209, %add3A_210 : vector<2048x128xf32>
    %slice3A_212 = vector.extract_strided_slice %dot_general3A_179 {offsets = [0, 256], sizes = [2048, 128], strides = [1, 1]} : vector<2048x512xf32> to vector<2048x128xf32>
    %add3A_213 = arith.addf %add3A_211, %slice3A_212 : vector<2048x128xf32>
    %lt3A_214 = arith.cmpf olt, %add3A_213, %select_n3A_202 : vector<2048x128xf32>
    %select_n3A_215 = arith.select %lt3A_214, %add3A_213, %select_n3A_202 : vector<2048x128xi1>, vector<2048x128xf32>
    %jit3A_216 = arith.constant 1.400000e+01 : f32
    %broadcast_in_dim3A_217 = vector.broadcast %jit3A_216 : f32 to vector<2048x128xf32>
    %select_n3A_218 = arith.select %lt3A_214, %broadcast_in_dim3A_217, %select_n3A_205 : vector<2048x128xi1>, vector<2048x128xf32>
    %get3A_219 = arith.constant 0 : index
    %get3A_220 = arith.constant 1920 : index
    %get3A_221 = vector.load %arg4[%get3A_219, %get3A_220] : memref<1x8192xf32, #tpu.memory_space<vmem>>, vector<1x128xf32>
    %add3A_222 = vector.broadcast %get3A_6 : vector<2048x1xf32> to vector<2048x128xf32>
    %add3A_223 = vector.broadcast %get3A_221 : vector<1x128xf32> to vector<2048x128xf32>
    %add3A_224 = arith.addf %add3A_222, %add3A_223 : vector<2048x128xf32>
    %slice3A_225 = vector.extract_strided_slice %dot_general3A_179 {offsets = [0, 384], sizes = [2048, 128], strides = [1, 1]} : vector<2048x512xf32> to vector<2048x128xf32>
    %add3A_226 = arith.addf %add3A_224, %slice3A_225 : vector<2048x128xf32>
    %lt3A_227 = arith.cmpf olt, %add3A_226, %select_n3A_215 : vector<2048x128xf32>
    %select_n3A_228 = arith.select %lt3A_227, %add3A_226, %select_n3A_215 : vector<2048x128xi1>, vector<2048x128xf32>
    %jit3A_229 = arith.constant 1.500000e+01 : f32
    %broadcast_in_dim3A_230 = vector.broadcast %jit3A_229 : f32 to vector<2048x128xf32>
    %select_n3A_231 = arith.select %lt3A_227, %broadcast_in_dim3A_230, %select_n3A_218 : vector<2048x128xi1>, vector<2048x128xf32>
    %get3A_232 = arith.constant 0 : index
    %get3A_233 = arith.constant 2048 : index
    %get3A_234 = vector.load %arg3[%get3A_232, %get3A_233] : memref<256x8192xbf16, #tpu.memory_space<vmem>>, vector<256x512xbf16>
    %dot_general3A_235 = arith.constant dense<0.000000e+00> : vector<2048x512xf32>
    %dot_general3A_236 = tpu.matmul %convert_element_type3A, %get3A_234, %dot_general3A_235 {dimension_numbers = #tpu.dot_dimension_numbers<[1], [0], [0], [1], [0, 0, 1, 1], [], []>, transpose_lhs_hint = false} : vector<2048x256xbf16>, vector<256x512xbf16>, vector<2048x512xf32> -> vector<2048x512xf32>
    %get3A_237 = arith.constant 0 : index
    %get3A_238 = arith.constant 2048 : index
    %get3A_239 = vector.load %arg4[%get3A_237, %get3A_238] : memref<1x8192xf32, #tpu.memory_space<vmem>>, vector<1x128xf32>
    %add3A_240 = vector.broadcast %get3A_6 : vector<2048x1xf32> to vector<2048x128xf32>
    %add3A_241 = vector.broadcast %get3A_239 : vector<1x128xf32> to vector<2048x128xf32>
    %add3A_242 = arith.addf %add3A_240, %add3A_241 : vector<2048x128xf32>
    %slice3A_243 = vector.extract_strided_slice %dot_general3A_236 {offsets = [0, 0], sizes = [2048, 128], strides = [1, 1]} : vector<2048x512xf32> to vector<2048x128xf32>
    %add3A_244 = arith.addf %add3A_242, %slice3A_243 : vector<2048x128xf32>
    %lt3A_245 = arith.cmpf olt, %add3A_244, %select_n3A_228 : vector<2048x128xf32>
    %select_n3A_246 = arith.select %lt3A_245, %add3A_244, %select_n3A_228 : vector<2048x128xi1>, vector<2048x128xf32>
    %jit3A_247 = arith.constant 1.600000e+01 : f32
    %broadcast_in_dim3A_248 = vector.broadcast %jit3A_247 : f32 to vector<2048x128xf32>
    %select_n3A_249 = arith.select %lt3A_245, %broadcast_in_dim3A_248, %select_n3A_231 : vector<2048x128xi1>, vector<2048x128xf32>
    %get3A_250 = arith.constant 0 : index
    %get3A_251 = arith.constant 2176 : index
    %get3A_252 = vector.load %arg4[%get3A_250, %get3A_251] : memref<1x8192xf32, #tpu.memory_space<vmem>>, vector<1x128xf32>
    %add3A_253 = vector.broadcast %get3A_6 : vector<2048x1xf32> to vector<2048x128xf32>
    %add3A_254 = vector.broadcast %get3A_252 : vector<1x128xf32> to vector<2048x128xf32>
    %add3A_255 = arith.addf %add3A_253, %add3A_254 : vector<2048x128xf32>
    %slice3A_256 = vector.extract_strided_slice %dot_general3A_236 {offsets = [0, 128], sizes = [2048, 128], strides = [1, 1]} : vector<2048x512xf32> to vector<2048x128xf32>
    %add3A_257 = arith.addf %add3A_255, %slice3A_256 : vector<2048x128xf32>
    %lt3A_258 = arith.cmpf olt, %add3A_257, %select_n3A_246 : vector<2048x128xf32>
    %select_n3A_259 = arith.select %lt3A_258, %add3A_257, %select_n3A_246 : vector<2048x128xi1>, vector<2048x128xf32>
    %jit3A_260 = arith.constant 1.700000e+01 : f32
    %broadcast_in_dim3A_261 = vector.broadcast %jit3A_260 : f32 to vector<2048x128xf32>
    %select_n3A_262 = arith.select %lt3A_258, %broadcast_in_dim3A_261, %select_n3A_249 : vector<2048x128xi1>, vector<2048x128xf32>
    %get3A_263 = arith.constant 0 : index
    %get3A_264 = arith.constant 2304 : index
    %get3A_265 = vector.load %arg4[%get3A_263, %get3A_264] : memref<1x8192xf32, #tpu.memory_space<vmem>>, vector<1x128xf32>
    %add3A_266 = vector.broadcast %get3A_6 : vector<2048x1xf32> to vector<2048x128xf32>
    %add3A_267 = vector.broadcast %get3A_265 : vector<1x128xf32> to vector<2048x128xf32>
    %add3A_268 = arith.addf %add3A_266, %add3A_267 : vector<2048x128xf32>
    %slice3A_269 = vector.extract_strided_slice %dot_general3A_236 {offsets = [0, 256], sizes = [2048, 128], strides = [1, 1]} : vector<2048x512xf32> to vector<2048x128xf32>
    %add3A_270 = arith.addf %add3A_268, %slice3A_269 : vector<2048x128xf32>
    %lt3A_271 = arith.cmpf olt, %add3A_270, %select_n3A_259 : vector<2048x128xf32>
    %select_n3A_272 = arith.select %lt3A_271, %add3A_270, %select_n3A_259 : vector<2048x128xi1>, vector<2048x128xf32>
    %jit3A_273 = arith.constant 1.800000e+01 : f32
    %broadcast_in_dim3A_274 = vector.broadcast %jit3A_273 : f32 to vector<2048x128xf32>
    %select_n3A_275 = arith.select %lt3A_271, %broadcast_in_dim3A_274, %select_n3A_262 : vector<2048x128xi1>, vector<2048x128xf32>
    %get3A_276 = arith.constant 0 : index
    %get3A_277 = arith.constant 2432 : index
    %get3A_278 = vector.load %arg4[%get3A_276, %get3A_277] : memref<1x8192xf32, #tpu.memory_space<vmem>>, vector<1x128xf32>
    %add3A_279 = vector.broadcast %get3A_6 : vector<2048x1xf32> to vector<2048x128xf32>
    %add3A_280 = vector.broadcast %get3A_278 : vector<1x128xf32> to vector<2048x128xf32>
    %add3A_281 = arith.addf %add3A_279, %add3A_280 : vector<2048x128xf32>
    %slice3A_282 = vector.extract_strided_slice %dot_general3A_236 {offsets = [0, 384], sizes = [2048, 128], strides = [1, 1]} : vector<2048x512xf32> to vector<2048x128xf32>
    %add3A_283 = arith.addf %add3A_281, %slice3A_282 : vector<2048x128xf32>
    %lt3A_284 = arith.cmpf olt, %add3A_283, %select_n3A_272 : vector<2048x128xf32>
    %select_n3A_285 = arith.select %lt3A_284, %add3A_283, %select_n3A_272 : vector<2048x128xi1>, vector<2048x128xf32>
    %jit3A_286 = arith.constant 1.900000e+01 : f32
    %broadcast_in_dim3A_287 = vector.broadcast %jit3A_286 : f32 to vector<2048x128xf32>
    %select_n3A_288 = arith.select %lt3A_284, %broadcast_in_dim3A_287, %select_n3A_275 : vector<2048x128xi1>, vector<2048x128xf32>
    %get3A_289 = arith.constant 0 : index
    %get3A_290 = arith.constant 2560 : index
    %get3A_291 = vector.load %arg3[%get3A_289, %get3A_290] : memref<256x8192xbf16, #tpu.memory_space<vmem>>, vector<256x512xbf16>
    %dot_general3A_292 = arith.constant dense<0.000000e+00> : vector<2048x512xf32>
    %dot_general3A_293 = tpu.matmul %convert_element_type3A, %get3A_291, %dot_general3A_292 {dimension_numbers = #tpu.dot_dimension_numbers<[1], [0], [0], [1], [0, 0, 1, 1], [], []>, transpose_lhs_hint = false} : vector<2048x256xbf16>, vector<256x512xbf16>, vector<2048x512xf32> -> vector<2048x512xf32>
    %get3A_294 = arith.constant 0 : index
    %get3A_295 = arith.constant 2560 : index
    %get3A_296 = vector.load %arg4[%get3A_294, %get3A_295] : memref<1x8192xf32, #tpu.memory_space<vmem>>, vector<1x128xf32>
    %add3A_297 = vector.broadcast %get3A_6 : vector<2048x1xf32> to vector<2048x128xf32>
    %add3A_298 = vector.broadcast %get3A_296 : vector<1x128xf32> to vector<2048x128xf32>
    %add3A_299 = arith.addf %add3A_297, %add3A_298 : vector<2048x128xf32>
    %slice3A_300 = vector.extract_strided_slice %dot_general3A_293 {offsets = [0, 0], sizes = [2048, 128], strides = [1, 1]} : vector<2048x512xf32> to vector<2048x128xf32>
    %add3A_301 = arith.addf %add3A_299, %slice3A_300 : vector<2048x128xf32>
    %lt3A_302 = arith.cmpf olt, %add3A_301, %select_n3A_285 : vector<2048x128xf32>
    %select_n3A_303 = arith.select %lt3A_302, %add3A_301, %select_n3A_285 : vector<2048x128xi1>, vector<2048x128xf32>
    %jit3A_304 = arith.constant 2.000000e+01 : f32
    %broadcast_in_dim3A_305 = vector.broadcast %jit3A_304 : f32 to vector<2048x128xf32>
    %select_n3A_306 = arith.select %lt3A_302, %broadcast_in_dim3A_305, %select_n3A_288 : vector<2048x128xi1>, vector<2048x128xf32>
    %get3A_307 = arith.constant 0 : index
    %get3A_308 = arith.constant 2688 : index
    %get3A_309 = vector.load %arg4[%get3A_307, %get3A_308] : memref<1x8192xf32, #tpu.memory_space<vmem>>, vector<1x128xf32>
    %add3A_310 = vector.broadcast %get3A_6 : vector<2048x1xf32> to vector<2048x128xf32>
    %add3A_311 = vector.broadcast %get3A_309 : vector<1x128xf32> to vector<2048x128xf32>
    %add3A_312 = arith.addf %add3A_310, %add3A_311 : vector<2048x128xf32>
    %slice3A_313 = vector.extract_strided_slice %dot_general3A_293 {offsets = [0, 128], sizes = [2048, 128], strides = [1, 1]} : vector<2048x512xf32> to vector<2048x128xf32>
    %add3A_314 = arith.addf %add3A_312, %slice3A_313 : vector<2048x128xf32>
    %lt3A_315 = arith.cmpf olt, %add3A_314, %select_n3A_303 : vector<2048x128xf32>
    %select_n3A_316 = arith.select %lt3A_315, %add3A_314, %select_n3A_303 : vector<2048x128xi1>, vector<2048x128xf32>
    %jit3A_317 = arith.constant 2.100000e+01 : f32
    %broadcast_in_dim3A_318 = vector.broadcast %jit3A_317 : f32 to vector<2048x128xf32>
    %select_n3A_319 = arith.select %lt3A_315, %broadcast_in_dim3A_318, %select_n3A_306 : vector<2048x128xi1>, vector<2048x128xf32>
    %get3A_320 = arith.constant 0 : index
    %get3A_321 = arith.constant 2816 : index
    %get3A_322 = vector.load %arg4[%get3A_320, %get3A_321] : memref<1x8192xf32, #tpu.memory_space<vmem>>, vector<1x128xf32>
    %add3A_323 = vector.broadcast %get3A_6 : vector<2048x1xf32> to vector<2048x128xf32>
    %add3A_324 = vector.broadcast %get3A_322 : vector<1x128xf32> to vector<2048x128xf32>
    %add3A_325 = arith.addf %add3A_323, %add3A_324 : vector<2048x128xf32>
    %slice3A_326 = vector.extract_strided_slice %dot_general3A_293 {offsets = [0, 256], sizes = [2048, 128], strides = [1, 1]} : vector<2048x512xf32> to vector<2048x128xf32>
    %add3A_327 = arith.addf %add3A_325, %slice3A_326 : vector<2048x128xf32>
    %lt3A_328 = arith.cmpf olt, %add3A_327, %select_n3A_316 : vector<2048x128xf32>
    %select_n3A_329 = arith.select %lt3A_328, %add3A_327, %select_n3A_316 : vector<2048x128xi1>, vector<2048x128xf32>
    %jit3A_330 = arith.constant 2.200000e+01 : f32
    %broadcast_in_dim3A_331 = vector.broadcast %jit3A_330 : f32 to vector<2048x128xf32>
    %select_n3A_332 = arith.select %lt3A_328, %broadcast_in_dim3A_331, %select_n3A_319 : vector<2048x128xi1>, vector<2048x128xf32>
    %get3A_333 = arith.constant 0 : index
    %get3A_334 = arith.constant 2944 : index
    %get3A_335 = vector.load %arg4[%get3A_333, %get3A_334] : memref<1x8192xf32, #tpu.memory_space<vmem>>, vector<1x128xf32>
    %add3A_336 = vector.broadcast %get3A_6 : vector<2048x1xf32> to vector<2048x128xf32>
    %add3A_337 = vector.broadcast %get3A_335 : vector<1x128xf32> to vector<2048x128xf32>
    %add3A_338 = arith.addf %add3A_336, %add3A_337 : vector<2048x128xf32>
    %slice3A_339 = vector.extract_strided_slice %dot_general3A_293 {offsets = [0, 384], sizes = [2048, 128], strides = [1, 1]} : vector<2048x512xf32> to vector<2048x128xf32>
    %add3A_340 = arith.addf %add3A_338, %slice3A_339 : vector<2048x128xf32>
    %lt3A_341 = arith.cmpf olt, %add3A_340, %select_n3A_329 : vector<2048x128xf32>
    %select_n3A_342 = arith.select %lt3A_341, %add3A_340, %select_n3A_329 : vector<2048x128xi1>, vector<2048x128xf32>
    %jit3A_343 = arith.constant 2.300000e+01 : f32
    %broadcast_in_dim3A_344 = vector.broadcast %jit3A_343 : f32 to vector<2048x128xf32>
    %select_n3A_345 = arith.select %lt3A_341, %broadcast_in_dim3A_344, %select_n3A_332 : vector<2048x128xi1>, vector<2048x128xf32>
    %get3A_346 = arith.constant 0 : index
    %get3A_347 = arith.constant 3072 : index
    %get3A_348 = vector.load %arg3[%get3A_346, %get3A_347] : memref<256x8192xbf16, #tpu.memory_space<vmem>>, vector<256x512xbf16>
    %dot_general3A_349 = arith.constant dense<0.000000e+00> : vector<2048x512xf32>
    %dot_general3A_350 = tpu.matmul %convert_element_type3A, %get3A_348, %dot_general3A_349 {dimension_numbers = #tpu.dot_dimension_numbers<[1], [0], [0], [1], [0, 0, 1, 1], [], []>, transpose_lhs_hint = false} : vector<2048x256xbf16>, vector<256x512xbf16>, vector<2048x512xf32> -> vector<2048x512xf32>
    %get3A_351 = arith.constant 0 : index
    %get3A_352 = arith.constant 3072 : index
    %get3A_353 = vector.load %arg4[%get3A_351, %get3A_352] : memref<1x8192xf32, #tpu.memory_space<vmem>>, vector<1x128xf32>
    %add3A_354 = vector.broadcast %get3A_6 : vector<2048x1xf32> to vector<2048x128xf32>
    %add3A_355 = vector.broadcast %get3A_353 : vector<1x128xf32> to vector<2048x128xf32>
    %add3A_356 = arith.addf %add3A_354, %add3A_355 : vector<2048x128xf32>
    %slice3A_357 = vector.extract_strided_slice %dot_general3A_350 {offsets = [0, 0], sizes = [2048, 128], strides = [1, 1]} : vector<2048x512xf32> to vector<2048x128xf32>
    %add3A_358 = arith.addf %add3A_356, %slice3A_357 : vector<2048x128xf32>
    %lt3A_359 = arith.cmpf olt, %add3A_358, %select_n3A_342 : vector<2048x128xf32>
    %select_n3A_360 = arith.select %lt3A_359, %add3A_358, %select_n3A_342 : vector<2048x128xi1>, vector<2048x128xf32>
    %jit3A_361 = arith.constant 2.400000e+01 : f32
    %broadcast_in_dim3A_362 = vector.broadcast %jit3A_361 : f32 to vector<2048x128xf32>
    %select_n3A_363 = arith.select %lt3A_359, %broadcast_in_dim3A_362, %select_n3A_345 : vector<2048x128xi1>, vector<2048x128xf32>
    %get3A_364 = arith.constant 0 : index
    %get3A_365 = arith.constant 3200 : index
    %get3A_366 = vector.load %arg4[%get3A_364, %get3A_365] : memref<1x8192xf32, #tpu.memory_space<vmem>>, vector<1x128xf32>
    %add3A_367 = vector.broadcast %get3A_6 : vector<2048x1xf32> to vector<2048x128xf32>
    %add3A_368 = vector.broadcast %get3A_366 : vector<1x128xf32> to vector<2048x128xf32>
    %add3A_369 = arith.addf %add3A_367, %add3A_368 : vector<2048x128xf32>
    %slice3A_370 = vector.extract_strided_slice %dot_general3A_350 {offsets = [0, 128], sizes = [2048, 128], strides = [1, 1]} : vector<2048x512xf32> to vector<2048x128xf32>
    %add3A_371 = arith.addf %add3A_369, %slice3A_370 : vector<2048x128xf32>
    %lt3A_372 = arith.cmpf olt, %add3A_371, %select_n3A_360 : vector<2048x128xf32>
    %select_n3A_373 = arith.select %lt3A_372, %add3A_371, %select_n3A_360 : vector<2048x128xi1>, vector<2048x128xf32>
    %jit3A_374 = arith.constant 2.500000e+01 : f32
    %broadcast_in_dim3A_375 = vector.broadcast %jit3A_374 : f32 to vector<2048x128xf32>
    %select_n3A_376 = arith.select %lt3A_372, %broadcast_in_dim3A_375, %select_n3A_363 : vector<2048x128xi1>, vector<2048x128xf32>
    %get3A_377 = arith.constant 0 : index
    %get3A_378 = arith.constant 3328 : index
    %get3A_379 = vector.load %arg4[%get3A_377, %get3A_378] : memref<1x8192xf32, #tpu.memory_space<vmem>>, vector<1x128xf32>
    %add3A_380 = vector.broadcast %get3A_6 : vector<2048x1xf32> to vector<2048x128xf32>
    %add3A_381 = vector.broadcast %get3A_379 : vector<1x128xf32> to vector<2048x128xf32>
    %add3A_382 = arith.addf %add3A_380, %add3A_381 : vector<2048x128xf32>
    %slice3A_383 = vector.extract_strided_slice %dot_general3A_350 {offsets = [0, 256], sizes = [2048, 128], strides = [1, 1]} : vector<2048x512xf32> to vector<2048x128xf32>
    %add3A_384 = arith.addf %add3A_382, %slice3A_383 : vector<2048x128xf32>
    %lt3A_385 = arith.cmpf olt, %add3A_384, %select_n3A_373 : vector<2048x128xf32>
    %select_n3A_386 = arith.select %lt3A_385, %add3A_384, %select_n3A_373 : vector<2048x128xi1>, vector<2048x128xf32>
    %jit3A_387 = arith.constant 2.600000e+01 : f32
    %broadcast_in_dim3A_388 = vector.broadcast %jit3A_387 : f32 to vector<2048x128xf32>
    %select_n3A_389 = arith.select %lt3A_385, %broadcast_in_dim3A_388, %select_n3A_376 : vector<2048x128xi1>, vector<2048x128xf32>
    %get3A_390 = arith.constant 0 : index
    %get3A_391 = arith.constant 3456 : index
    %get3A_392 = vector.load %arg4[%get3A_390, %get3A_391] : memref<1x8192xf32, #tpu.memory_space<vmem>>, vector<1x128xf32>
    %add3A_393 = vector.broadcast %get3A_6 : vector<2048x1xf32> to vector<2048x128xf32>
    %add3A_394 = vector.broadcast %get3A_392 : vector<1x128xf32> to vector<2048x128xf32>
    %add3A_395 = arith.addf %add3A_393, %add3A_394 : vector<2048x128xf32>
    %slice3A_396 = vector.extract_strided_slice %dot_general3A_350 {offsets = [0, 384], sizes = [2048, 128], strides = [1, 1]} : vector<2048x512xf32> to vector<2048x128xf32>
    %add3A_397 = arith.addf %add3A_395, %slice3A_396 : vector<2048x128xf32>
    %lt3A_398 = arith.cmpf olt, %add3A_397, %select_n3A_386 : vector<2048x128xf32>
    %select_n3A_399 = arith.select %lt3A_398, %add3A_397, %select_n3A_386 : vector<2048x128xi1>, vector<2048x128xf32>
    %jit3A_400 = arith.constant 2.700000e+01 : f32
    %broadcast_in_dim3A_401 = vector.broadcast %jit3A_400 : f32 to vector<2048x128xf32>
    %select_n3A_402 = arith.select %lt3A_398, %broadcast_in_dim3A_401, %select_n3A_389 : vector<2048x128xi1>, vector<2048x128xf32>
    %get3A_403 = arith.constant 0 : index
    %get3A_404 = arith.constant 3584 : index
    %get3A_405 = vector.load %arg3[%get3A_403, %get3A_404] : memref<256x8192xbf16, #tpu.memory_space<vmem>>, vector<256x512xbf16>
    %dot_general3A_406 = arith.constant dense<0.000000e+00> : vector<2048x512xf32>
    %dot_general3A_407 = tpu.matmul %convert_element_type3A, %get3A_405, %dot_general3A_406 {dimension_numbers = #tpu.dot_dimension_numbers<[1], [0], [0], [1], [0, 0, 1, 1], [], []>, transpose_lhs_hint = false} : vector<2048x256xbf16>, vector<256x512xbf16>, vector<2048x512xf32> -> vector<2048x512xf32>
    %get3A_408 = arith.constant 0 : index
    %get3A_409 = arith.constant 3584 : index
    %get3A_410 = vector.load %arg4[%get3A_408, %get3A_409] : memref<1x8192xf32, #tpu.memory_space<vmem>>, vector<1x128xf32>
    %add3A_411 = vector.broadcast %get3A_6 : vector<2048x1xf32> to vector<2048x128xf32>
    %add3A_412 = vector.broadcast %get3A_410 : vector<1x128xf32> to vector<2048x128xf32>
    %add3A_413 = arith.addf %add3A_411, %add3A_412 : vector<2048x128xf32>
    %slice3A_414 = vector.extract_strided_slice %dot_general3A_407 {offsets = [0, 0], sizes = [2048, 128], strides = [1, 1]} : vector<2048x512xf32> to vector<2048x128xf32>
    %add3A_415 = arith.addf %add3A_413, %slice3A_414 : vector<2048x128xf32>
    %lt3A_416 = arith.cmpf olt, %add3A_415, %select_n3A_399 : vector<2048x128xf32>
    %select_n3A_417 = arith.select %lt3A_416, %add3A_415, %select_n3A_399 : vector<2048x128xi1>, vector<2048x128xf32>
    %jit3A_418 = arith.constant 2.800000e+01 : f32
    %broadcast_in_dim3A_419 = vector.broadcast %jit3A_418 : f32 to vector<2048x128xf32>
    %select_n3A_420 = arith.select %lt3A_416, %broadcast_in_dim3A_419, %select_n3A_402 : vector<2048x128xi1>, vector<2048x128xf32>
    %get3A_421 = arith.constant 0 : index
    %get3A_422 = arith.constant 3712 : index
    %get3A_423 = vector.load %arg4[%get3A_421, %get3A_422] : memref<1x8192xf32, #tpu.memory_space<vmem>>, vector<1x128xf32>
    %add3A_424 = vector.broadcast %get3A_6 : vector<2048x1xf32> to vector<2048x128xf32>
    %add3A_425 = vector.broadcast %get3A_423 : vector<1x128xf32> to vector<2048x128xf32>
    %add3A_426 = arith.addf %add3A_424, %add3A_425 : vector<2048x128xf32>
    %slice3A_427 = vector.extract_strided_slice %dot_general3A_407 {offsets = [0, 128], sizes = [2048, 128], strides = [1, 1]} : vector<2048x512xf32> to vector<2048x128xf32>
    %add3A_428 = arith.addf %add3A_426, %slice3A_427 : vector<2048x128xf32>
    %lt3A_429 = arith.cmpf olt, %add3A_428, %select_n3A_417 : vector<2048x128xf32>
    %select_n3A_430 = arith.select %lt3A_429, %add3A_428, %select_n3A_417 : vector<2048x128xi1>, vector<2048x128xf32>
    %jit3A_431 = arith.constant 2.900000e+01 : f32
    %broadcast_in_dim3A_432 = vector.broadcast %jit3A_431 : f32 to vector<2048x128xf32>
    %select_n3A_433 = arith.select %lt3A_429, %broadcast_in_dim3A_432, %select_n3A_420 : vector<2048x128xi1>, vector<2048x128xf32>
    %get3A_434 = arith.constant 0 : index
    %get3A_435 = arith.constant 3840 : index
    %get3A_436 = vector.load %arg4[%get3A_434, %get3A_435] : memref<1x8192xf32, #tpu.memory_space<vmem>>, vector<1x128xf32>
    %add3A_437 = vector.broadcast %get3A_6 : vector<2048x1xf32> to vector<2048x128xf32>
    %add3A_438 = vector.broadcast %get3A_436 : vector<1x128xf32> to vector<2048x128xf32>
    %add3A_439 = arith.addf %add3A_437, %add3A_438 : vector<2048x128xf32>
    %slice3A_440 = vector.extract_strided_slice %dot_general3A_407 {offsets = [0, 256], sizes = [2048, 128], strides = [1, 1]} : vector<2048x512xf32> to vector<2048x128xf32>
    %add3A_441 = arith.addf %add3A_439, %slice3A_440 : vector<2048x128xf32>
    %lt3A_442 = arith.cmpf olt, %add3A_441, %select_n3A_430 : vector<2048x128xf32>
    %select_n3A_443 = arith.select %lt3A_442, %add3A_441, %select_n3A_430 : vector<2048x128xi1>, vector<2048x128xf32>
    %jit3A_444 = arith.constant 3.000000e+01 : f32
    %broadcast_in_dim3A_445 = vector.broadcast %jit3A_444 : f32 to vector<2048x128xf32>
    %select_n3A_446 = arith.select %lt3A_442, %broadcast_in_dim3A_445, %select_n3A_433 : vector<2048x128xi1>, vector<2048x128xf32>
    %get3A_447 = arith.constant 0 : index
    %get3A_448 = arith.constant 3968 : index
    %get3A_449 = vector.load %arg4[%get3A_447, %get3A_448] : memref<1x8192xf32, #tpu.memory_space<vmem>>, vector<1x128xf32>
    %add3A_450 = vector.broadcast %get3A_6 : vector<2048x1xf32> to vector<2048x128xf32>
    %add3A_451 = vector.broadcast %get3A_449 : vector<1x128xf32> to vector<2048x128xf32>
    %add3A_452 = arith.addf %add3A_450, %add3A_451 : vector<2048x128xf32>
    %slice3A_453 = vector.extract_strided_slice %dot_general3A_407 {offsets = [0, 384], sizes = [2048, 128], strides = [1, 1]} : vector<2048x512xf32> to vector<2048x128xf32>
    %add3A_454 = arith.addf %add3A_452, %slice3A_453 : vector<2048x128xf32>
    %lt3A_455 = arith.cmpf olt, %add3A_454, %select_n3A_443 : vector<2048x128xf32>
    %select_n3A_456 = arith.select %lt3A_455, %add3A_454, %select_n3A_443 : vector<2048x128xi1>, vector<2048x128xf32>
    %jit3A_457 = arith.constant 3.100000e+01 : f32
    %broadcast_in_dim3A_458 = vector.broadcast %jit3A_457 : f32 to vector<2048x128xf32>
    %select_n3A_459 = arith.select %lt3A_455, %broadcast_in_dim3A_458, %select_n3A_446 : vector<2048x128xi1>, vector<2048x128xf32>
    %get3A_460 = arith.constant 0 : index
    %get3A_461 = arith.constant 4096 : index
    %get3A_462 = vector.load %arg3[%get3A_460, %get3A_461] : memref<256x8192xbf16, #tpu.memory_space<vmem>>, vector<256x512xbf16>
    %dot_general3A_463 = arith.constant dense<0.000000e+00> : vector<2048x512xf32>
    %dot_general3A_464 = tpu.matmul %convert_element_type3A, %get3A_462, %dot_general3A_463 {dimension_numbers = #tpu.dot_dimension_numbers<[1], [0], [0], [1], [0, 0, 1, 1], [], []>, transpose_lhs_hint = false} : vector<2048x256xbf16>, vector<256x512xbf16>, vector<2048x512xf32> -> vector<2048x512xf32>
    %get3A_465 = arith.constant 0 : index
    %get3A_466 = arith.constant 4096 : index
    %get3A_467 = vector.load %arg4[%get3A_465, %get3A_466] : memref<1x8192xf32, #tpu.memory_space<vmem>>, vector<1x128xf32>
    %add3A_468 = vector.broadcast %get3A_6 : vector<2048x1xf32> to vector<2048x128xf32>
    %add3A_469 = vector.broadcast %get3A_467 : vector<1x128xf32> to vector<2048x128xf32>
    %add3A_470 = arith.addf %add3A_468, %add3A_469 : vector<2048x128xf32>
    %slice3A_471 = vector.extract_strided_slice %dot_general3A_464 {offsets = [0, 0], sizes = [2048, 128], strides = [1, 1]} : vector<2048x512xf32> to vector<2048x128xf32>
    %add3A_472 = arith.addf %add3A_470, %slice3A_471 : vector<2048x128xf32>
    %lt3A_473 = arith.cmpf olt, %add3A_472, %select_n3A_456 : vector<2048x128xf32>
    %select_n3A_474 = arith.select %lt3A_473, %add3A_472, %select_n3A_456 : vector<2048x128xi1>, vector<2048x128xf32>
    %jit3A_475 = arith.constant 3.200000e+01 : f32
    %broadcast_in_dim3A_476 = vector.broadcast %jit3A_475 : f32 to vector<2048x128xf32>
    %select_n3A_477 = arith.select %lt3A_473, %broadcast_in_dim3A_476, %select_n3A_459 : vector<2048x128xi1>, vector<2048x128xf32>
    %get3A_478 = arith.constant 0 : index
    %get3A_479 = arith.constant 4224 : index
    %get3A_480 = vector.load %arg4[%get3A_478, %get3A_479] : memref<1x8192xf32, #tpu.memory_space<vmem>>, vector<1x128xf32>
    %add3A_481 = vector.broadcast %get3A_6 : vector<2048x1xf32> to vector<2048x128xf32>
    %add3A_482 = vector.broadcast %get3A_480 : vector<1x128xf32> to vector<2048x128xf32>
    %add3A_483 = arith.addf %add3A_481, %add3A_482 : vector<2048x128xf32>
    %slice3A_484 = vector.extract_strided_slice %dot_general3A_464 {offsets = [0, 128], sizes = [2048, 128], strides = [1, 1]} : vector<2048x512xf32> to vector<2048x128xf32>
    %add3A_485 = arith.addf %add3A_483, %slice3A_484 : vector<2048x128xf32>
    %lt3A_486 = arith.cmpf olt, %add3A_485, %select_n3A_474 : vector<2048x128xf32>
    %select_n3A_487 = arith.select %lt3A_486, %add3A_485, %select_n3A_474 : vector<2048x128xi1>, vector<2048x128xf32>
    %jit3A_488 = arith.constant 3.300000e+01 : f32
    %broadcast_in_dim3A_489 = vector.broadcast %jit3A_488 : f32 to vector<2048x128xf32>
    %select_n3A_490 = arith.select %lt3A_486, %broadcast_in_dim3A_489, %select_n3A_477 : vector<2048x128xi1>, vector<2048x128xf32>
    %get3A_491 = arith.constant 0 : index
    %get3A_492 = arith.constant 4352 : index
    %get3A_493 = vector.load %arg4[%get3A_491, %get3A_492] : memref<1x8192xf32, #tpu.memory_space<vmem>>, vector<1x128xf32>
    %add3A_494 = vector.broadcast %get3A_6 : vector<2048x1xf32> to vector<2048x128xf32>
    %add3A_495 = vector.broadcast %get3A_493 : vector<1x128xf32> to vector<2048x128xf32>
    %add3A_496 = arith.addf %add3A_494, %add3A_495 : vector<2048x128xf32>
    %slice3A_497 = vector.extract_strided_slice %dot_general3A_464 {offsets = [0, 256], sizes = [2048, 128], strides = [1, 1]} : vector<2048x512xf32> to vector<2048x128xf32>
    %add3A_498 = arith.addf %add3A_496, %slice3A_497 : vector<2048x128xf32>
    %lt3A_499 = arith.cmpf olt, %add3A_498, %select_n3A_487 : vector<2048x128xf32>
    %select_n3A_500 = arith.select %lt3A_499, %add3A_498, %select_n3A_487 : vector<2048x128xi1>, vector<2048x128xf32>
    %jit3A_501 = arith.constant 3.400000e+01 : f32
    %broadcast_in_dim3A_502 = vector.broadcast %jit3A_501 : f32 to vector<2048x128xf32>
    %select_n3A_503 = arith.select %lt3A_499, %broadcast_in_dim3A_502, %select_n3A_490 : vector<2048x128xi1>, vector<2048x128xf32>
    %get3A_504 = arith.constant 0 : index
    %get3A_505 = arith.constant 4480 : index
    %get3A_506 = vector.load %arg4[%get3A_504, %get3A_505] : memref<1x8192xf32, #tpu.memory_space<vmem>>, vector<1x128xf32>
    %add3A_507 = vector.broadcast %get3A_6 : vector<2048x1xf32> to vector<2048x128xf32>
    %add3A_508 = vector.broadcast %get3A_506 : vector<1x128xf32> to vector<2048x128xf32>
    %add3A_509 = arith.addf %add3A_507, %add3A_508 : vector<2048x128xf32>
    %slice3A_510 = vector.extract_strided_slice %dot_general3A_464 {offsets = [0, 384], sizes = [2048, 128], strides = [1, 1]} : vector<2048x512xf32> to vector<2048x128xf32>
    %add3A_511 = arith.addf %add3A_509, %slice3A_510 : vector<2048x128xf32>
    %lt3A_512 = arith.cmpf olt, %add3A_511, %select_n3A_500 : vector<2048x128xf32>
    %select_n3A_513 = arith.select %lt3A_512, %add3A_511, %select_n3A_500 : vector<2048x128xi1>, vector<2048x128xf32>
    %jit3A_514 = arith.constant 3.500000e+01 : f32
    %broadcast_in_dim3A_515 = vector.broadcast %jit3A_514 : f32 to vector<2048x128xf32>
    %select_n3A_516 = arith.select %lt3A_512, %broadcast_in_dim3A_515, %select_n3A_503 : vector<2048x128xi1>, vector<2048x128xf32>
    %get3A_517 = arith.constant 0 : index
    %get3A_518 = arith.constant 4608 : index
    %get3A_519 = vector.load %arg3[%get3A_517, %get3A_518] : memref<256x8192xbf16, #tpu.memory_space<vmem>>, vector<256x512xbf16>
    %dot_general3A_520 = arith.constant dense<0.000000e+00> : vector<2048x512xf32>
    %dot_general3A_521 = tpu.matmul %convert_element_type3A, %get3A_519, %dot_general3A_520 {dimension_numbers = #tpu.dot_dimension_numbers<[1], [0], [0], [1], [0, 0, 1, 1], [], []>, transpose_lhs_hint = false} : vector<2048x256xbf16>, vector<256x512xbf16>, vector<2048x512xf32> -> vector<2048x512xf32>
    %get3A_522 = arith.constant 0 : index
    %get3A_523 = arith.constant 4608 : index
    %get3A_524 = vector.load %arg4[%get3A_522, %get3A_523] : memref<1x8192xf32, #tpu.memory_space<vmem>>, vector<1x128xf32>
    %add3A_525 = vector.broadcast %get3A_6 : vector<2048x1xf32> to vector<2048x128xf32>
    %add3A_526 = vector.broadcast %get3A_524 : vector<1x128xf32> to vector<2048x128xf32>
    %add3A_527 = arith.addf %add3A_525, %add3A_526 : vector<2048x128xf32>
    %slice3A_528 = vector.extract_strided_slice %dot_general3A_521 {offsets = [0, 0], sizes = [2048, 128], strides = [1, 1]} : vector<2048x512xf32> to vector<2048x128xf32>
    %add3A_529 = arith.addf %add3A_527, %slice3A_528 : vector<2048x128xf32>
    %lt3A_530 = arith.cmpf olt, %add3A_529, %select_n3A_513 : vector<2048x128xf32>
    %select_n3A_531 = arith.select %lt3A_530, %add3A_529, %select_n3A_513 : vector<2048x128xi1>, vector<2048x128xf32>
    %jit3A_532 = arith.constant 3.600000e+01 : f32
    %broadcast_in_dim3A_533 = vector.broadcast %jit3A_532 : f32 to vector<2048x128xf32>
    %select_n3A_534 = arith.select %lt3A_530, %broadcast_in_dim3A_533, %select_n3A_516 : vector<2048x128xi1>, vector<2048x128xf32>
    %get3A_535 = arith.constant 0 : index
    %get3A_536 = arith.constant 4736 : index
    %get3A_537 = vector.load %arg4[%get3A_535, %get3A_536] : memref<1x8192xf32, #tpu.memory_space<vmem>>, vector<1x128xf32>
    %add3A_538 = vector.broadcast %get3A_6 : vector<2048x1xf32> to vector<2048x128xf32>
    %add3A_539 = vector.broadcast %get3A_537 : vector<1x128xf32> to vector<2048x128xf32>
    %add3A_540 = arith.addf %add3A_538, %add3A_539 : vector<2048x128xf32>
    %slice3A_541 = vector.extract_strided_slice %dot_general3A_521 {offsets = [0, 128], sizes = [2048, 128], strides = [1, 1]} : vector<2048x512xf32> to vector<2048x128xf32>
    %add3A_542 = arith.addf %add3A_540, %slice3A_541 : vector<2048x128xf32>
    %lt3A_543 = arith.cmpf olt, %add3A_542, %select_n3A_531 : vector<2048x128xf32>
    %select_n3A_544 = arith.select %lt3A_543, %add3A_542, %select_n3A_531 : vector<2048x128xi1>, vector<2048x128xf32>
    %jit3A_545 = arith.constant 3.700000e+01 : f32
    %broadcast_in_dim3A_546 = vector.broadcast %jit3A_545 : f32 to vector<2048x128xf32>
    %select_n3A_547 = arith.select %lt3A_543, %broadcast_in_dim3A_546, %select_n3A_534 : vector<2048x128xi1>, vector<2048x128xf32>
    %get3A_548 = arith.constant 0 : index
    %get3A_549 = arith.constant 4864 : index
    %get3A_550 = vector.load %arg4[%get3A_548, %get3A_549] : memref<1x8192xf32, #tpu.memory_space<vmem>>, vector<1x128xf32>
    %add3A_551 = vector.broadcast %get3A_6 : vector<2048x1xf32> to vector<2048x128xf32>
    %add3A_552 = vector.broadcast %get3A_550 : vector<1x128xf32> to vector<2048x128xf32>
    %add3A_553 = arith.addf %add3A_551, %add3A_552 : vector<2048x128xf32>
    %slice3A_554 = vector.extract_strided_slice %dot_general3A_521 {offsets = [0, 256], sizes = [2048, 128], strides = [1, 1]} : vector<2048x512xf32> to vector<2048x128xf32>
    %add3A_555 = arith.addf %add3A_553, %slice3A_554 : vector<2048x128xf32>
    %lt3A_556 = arith.cmpf olt, %add3A_555, %select_n3A_544 : vector<2048x128xf32>
    %select_n3A_557 = arith.select %lt3A_556, %add3A_555, %select_n3A_544 : vector<2048x128xi1>, vector<2048x128xf32>
    %jit3A_558 = arith.constant 3.800000e+01 : f32
    %broadcast_in_dim3A_559 = vector.broadcast %jit3A_558 : f32 to vector<2048x128xf32>
    %select_n3A_560 = arith.select %lt3A_556, %broadcast_in_dim3A_559, %select_n3A_547 : vector<2048x128xi1>, vector<2048x128xf32>
    %get3A_561 = arith.constant 0 : index
    %get3A_562 = arith.constant 4992 : index
    %get3A_563 = vector.load %arg4[%get3A_561, %get3A_562] : memref<1x8192xf32, #tpu.memory_space<vmem>>, vector<1x128xf32>
    %add3A_564 = vector.broadcast %get3A_6 : vector<2048x1xf32> to vector<2048x128xf32>
    %add3A_565 = vector.broadcast %get3A_563 : vector<1x128xf32> to vector<2048x128xf32>
    %add3A_566 = arith.addf %add3A_564, %add3A_565 : vector<2048x128xf32>
    %slice3A_567 = vector.extract_strided_slice %dot_general3A_521 {offsets = [0, 384], sizes = [2048, 128], strides = [1, 1]} : vector<2048x512xf32> to vector<2048x128xf32>
    %add3A_568 = arith.addf %add3A_566, %slice3A_567 : vector<2048x128xf32>
    %lt3A_569 = arith.cmpf olt, %add3A_568, %select_n3A_557 : vector<2048x128xf32>
    %select_n3A_570 = arith.select %lt3A_569, %add3A_568, %select_n3A_557 : vector<2048x128xi1>, vector<2048x128xf32>
    %jit3A_571 = arith.constant 3.900000e+01 : f32
    %broadcast_in_dim3A_572 = vector.broadcast %jit3A_571 : f32 to vector<2048x128xf32>
    %select_n3A_573 = arith.select %lt3A_569, %broadcast_in_dim3A_572, %select_n3A_560 : vector<2048x128xi1>, vector<2048x128xf32>
    %get3A_574 = arith.constant 0 : index
    %get3A_575 = arith.constant 5120 : index
    %get3A_576 = vector.load %arg3[%get3A_574, %get3A_575] : memref<256x8192xbf16, #tpu.memory_space<vmem>>, vector<256x512xbf16>
    %dot_general3A_577 = arith.constant dense<0.000000e+00> : vector<2048x512xf32>
    %dot_general3A_578 = tpu.matmul %convert_element_type3A, %get3A_576, %dot_general3A_577 {dimension_numbers = #tpu.dot_dimension_numbers<[1], [0], [0], [1], [0, 0, 1, 1], [], []>, transpose_lhs_hint = false} : vector<2048x256xbf16>, vector<256x512xbf16>, vector<2048x512xf32> -> vector<2048x512xf32>
    %get3A_579 = arith.constant 0 : index
    %get3A_580 = arith.constant 5120 : index
    %get3A_581 = vector.load %arg4[%get3A_579, %get3A_580] : memref<1x8192xf32, #tpu.memory_space<vmem>>, vector<1x128xf32>
    %add3A_582 = vector.broadcast %get3A_6 : vector<2048x1xf32> to vector<2048x128xf32>
    %add3A_583 = vector.broadcast %get3A_581 : vector<1x128xf32> to vector<2048x128xf32>
    %add3A_584 = arith.addf %add3A_582, %add3A_583 : vector<2048x128xf32>
    %slice3A_585 = vector.extract_strided_slice %dot_general3A_578 {offsets = [0, 0], sizes = [2048, 128], strides = [1, 1]} : vector<2048x512xf32> to vector<2048x128xf32>
    %add3A_586 = arith.addf %add3A_584, %slice3A_585 : vector<2048x128xf32>
    %lt3A_587 = arith.cmpf olt, %add3A_586, %select_n3A_570 : vector<2048x128xf32>
    %select_n3A_588 = arith.select %lt3A_587, %add3A_586, %select_n3A_570 : vector<2048x128xi1>, vector<2048x128xf32>
    %jit3A_589 = arith.constant 4.000000e+01 : f32
    %broadcast_in_dim3A_590 = vector.broadcast %jit3A_589 : f32 to vector<2048x128xf32>
    %select_n3A_591 = arith.select %lt3A_587, %broadcast_in_dim3A_590, %select_n3A_573 : vector<2048x128xi1>, vector<2048x128xf32>
    %get3A_592 = arith.constant 0 : index
    %get3A_593 = arith.constant 5248 : index
    %get3A_594 = vector.load %arg4[%get3A_592, %get3A_593] : memref<1x8192xf32, #tpu.memory_space<vmem>>, vector<1x128xf32>
    %add3A_595 = vector.broadcast %get3A_6 : vector<2048x1xf32> to vector<2048x128xf32>
    %add3A_596 = vector.broadcast %get3A_594 : vector<1x128xf32> to vector<2048x128xf32>
    %add3A_597 = arith.addf %add3A_595, %add3A_596 : vector<2048x128xf32>
    %slice3A_598 = vector.extract_strided_slice %dot_general3A_578 {offsets = [0, 128], sizes = [2048, 128], strides = [1, 1]} : vector<2048x512xf32> to vector<2048x128xf32>
    %add3A_599 = arith.addf %add3A_597, %slice3A_598 : vector<2048x128xf32>
    %lt3A_600 = arith.cmpf olt, %add3A_599, %select_n3A_588 : vector<2048x128xf32>
    %select_n3A_601 = arith.select %lt3A_600, %add3A_599, %select_n3A_588 : vector<2048x128xi1>, vector<2048x128xf32>
    %jit3A_602 = arith.constant 4.100000e+01 : f32
    %broadcast_in_dim3A_603 = vector.broadcast %jit3A_602 : f32 to vector<2048x128xf32>
    %select_n3A_604 = arith.select %lt3A_600, %broadcast_in_dim3A_603, %select_n3A_591 : vector<2048x128xi1>, vector<2048x128xf32>
    %get3A_605 = arith.constant 0 : index
    %get3A_606 = arith.constant 5376 : index
    %get3A_607 = vector.load %arg4[%get3A_605, %get3A_606] : memref<1x8192xf32, #tpu.memory_space<vmem>>, vector<1x128xf32>
    %add3A_608 = vector.broadcast %get3A_6 : vector<2048x1xf32> to vector<2048x128xf32>
    %add3A_609 = vector.broadcast %get3A_607 : vector<1x128xf32> to vector<2048x128xf32>
    %add3A_610 = arith.addf %add3A_608, %add3A_609 : vector<2048x128xf32>
    %slice3A_611 = vector.extract_strided_slice %dot_general3A_578 {offsets = [0, 256], sizes = [2048, 128], strides = [1, 1]} : vector<2048x512xf32> to vector<2048x128xf32>
    %add3A_612 = arith.addf %add3A_610, %slice3A_611 : vector<2048x128xf32>
    %lt3A_613 = arith.cmpf olt, %add3A_612, %select_n3A_601 : vector<2048x128xf32>
    %select_n3A_614 = arith.select %lt3A_613, %add3A_612, %select_n3A_601 : vector<2048x128xi1>, vector<2048x128xf32>
    %jit3A_615 = arith.constant 4.200000e+01 : f32
    %broadcast_in_dim3A_616 = vector.broadcast %jit3A_615 : f32 to vector<2048x128xf32>
    %select_n3A_617 = arith.select %lt3A_613, %broadcast_in_dim3A_616, %select_n3A_604 : vector<2048x128xi1>, vector<2048x128xf32>
    %get3A_618 = arith.constant 0 : index
    %get3A_619 = arith.constant 5504 : index
    %get3A_620 = vector.load %arg4[%get3A_618, %get3A_619] : memref<1x8192xf32, #tpu.memory_space<vmem>>, vector<1x128xf32>
    %add3A_621 = vector.broadcast %get3A_6 : vector<2048x1xf32> to vector<2048x128xf32>
    %add3A_622 = vector.broadcast %get3A_620 : vector<1x128xf32> to vector<2048x128xf32>
    %add3A_623 = arith.addf %add3A_621, %add3A_622 : vector<2048x128xf32>
    %slice3A_624 = vector.extract_strided_slice %dot_general3A_578 {offsets = [0, 384], sizes = [2048, 128], strides = [1, 1]} : vector<2048x512xf32> to vector<2048x128xf32>
    %add3A_625 = arith.addf %add3A_623, %slice3A_624 : vector<2048x128xf32>
    %lt3A_626 = arith.cmpf olt, %add3A_625, %select_n3A_614 : vector<2048x128xf32>
    %select_n3A_627 = arith.select %lt3A_626, %add3A_625, %select_n3A_614 : vector<2048x128xi1>, vector<2048x128xf32>
    %jit3A_628 = arith.constant 4.300000e+01 : f32
    %broadcast_in_dim3A_629 = vector.broadcast %jit3A_628 : f32 to vector<2048x128xf32>
    %select_n3A_630 = arith.select %lt3A_626, %broadcast_in_dim3A_629, %select_n3A_617 : vector<2048x128xi1>, vector<2048x128xf32>
    %get3A_631 = arith.constant 0 : index
    %get3A_632 = arith.constant 5632 : index
    %get3A_633 = vector.load %arg3[%get3A_631, %get3A_632] : memref<256x8192xbf16, #tpu.memory_space<vmem>>, vector<256x512xbf16>
    %dot_general3A_634 = arith.constant dense<0.000000e+00> : vector<2048x512xf32>
    %dot_general3A_635 = tpu.matmul %convert_element_type3A, %get3A_633, %dot_general3A_634 {dimension_numbers = #tpu.dot_dimension_numbers<[1], [0], [0], [1], [0, 0, 1, 1], [], []>, transpose_lhs_hint = false} : vector<2048x256xbf16>, vector<256x512xbf16>, vector<2048x512xf32> -> vector<2048x512xf32>
    %get3A_636 = arith.constant 0 : index
    %get3A_637 = arith.constant 5632 : index
    %get3A_638 = vector.load %arg4[%get3A_636, %get3A_637] : memref<1x8192xf32, #tpu.memory_space<vmem>>, vector<1x128xf32>
    %add3A_639 = vector.broadcast %get3A_6 : vector<2048x1xf32> to vector<2048x128xf32>
    %add3A_640 = vector.broadcast %get3A_638 : vector<1x128xf32> to vector<2048x128xf32>
    %add3A_641 = arith.addf %add3A_639, %add3A_640 : vector<2048x128xf32>
    %slice3A_642 = vector.extract_strided_slice %dot_general3A_635 {offsets = [0, 0], sizes = [2048, 128], strides = [1, 1]} : vector<2048x512xf32> to vector<2048x128xf32>
    %add3A_643 = arith.addf %add3A_641, %slice3A_642 : vector<2048x128xf32>
    %lt3A_644 = arith.cmpf olt, %add3A_643, %select_n3A_627 : vector<2048x128xf32>
    %select_n3A_645 = arith.select %lt3A_644, %add3A_643, %select_n3A_627 : vector<2048x128xi1>, vector<2048x128xf32>
    %jit3A_646 = arith.constant 4.400000e+01 : f32
    %broadcast_in_dim3A_647 = vector.broadcast %jit3A_646 : f32 to vector<2048x128xf32>
    %select_n3A_648 = arith.select %lt3A_644, %broadcast_in_dim3A_647, %select_n3A_630 : vector<2048x128xi1>, vector<2048x128xf32>
    %get3A_649 = arith.constant 0 : index
    %get3A_650 = arith.constant 5760 : index
    %get3A_651 = vector.load %arg4[%get3A_649, %get3A_650] : memref<1x8192xf32, #tpu.memory_space<vmem>>, vector<1x128xf32>
    %add3A_652 = vector.broadcast %get3A_6 : vector<2048x1xf32> to vector<2048x128xf32>
    %add3A_653 = vector.broadcast %get3A_651 : vector<1x128xf32> to vector<2048x128xf32>
    %add3A_654 = arith.addf %add3A_652, %add3A_653 : vector<2048x128xf32>
    %slice3A_655 = vector.extract_strided_slice %dot_general3A_635 {offsets = [0, 128], sizes = [2048, 128], strides = [1, 1]} : vector<2048x512xf32> to vector<2048x128xf32>
    %add3A_656 = arith.addf %add3A_654, %slice3A_655 : vector<2048x128xf32>
    %lt3A_657 = arith.cmpf olt, %add3A_656, %select_n3A_645 : vector<2048x128xf32>
    %select_n3A_658 = arith.select %lt3A_657, %add3A_656, %select_n3A_645 : vector<2048x128xi1>, vector<2048x128xf32>
    %jit3A_659 = arith.constant 4.500000e+01 : f32
    %broadcast_in_dim3A_660 = vector.broadcast %jit3A_659 : f32 to vector<2048x128xf32>
    %select_n3A_661 = arith.select %lt3A_657, %broadcast_in_dim3A_660, %select_n3A_648 : vector<2048x128xi1>, vector<2048x128xf32>
    %get3A_662 = arith.constant 0 : index
    %get3A_663 = arith.constant 5888 : index
    %get3A_664 = vector.load %arg4[%get3A_662, %get3A_663] : memref<1x8192xf32, #tpu.memory_space<vmem>>, vector<1x128xf32>
    %add3A_665 = vector.broadcast %get3A_6 : vector<2048x1xf32> to vector<2048x128xf32>
    %add3A_666 = vector.broadcast %get3A_664 : vector<1x128xf32> to vector<2048x128xf32>
    %add3A_667 = arith.addf %add3A_665, %add3A_666 : vector<2048x128xf32>
    %slice3A_668 = vector.extract_strided_slice %dot_general3A_635 {offsets = [0, 256], sizes = [2048, 128], strides = [1, 1]} : vector<2048x512xf32> to vector<2048x128xf32>
    %add3A_669 = arith.addf %add3A_667, %slice3A_668 : vector<2048x128xf32>
    %lt3A_670 = arith.cmpf olt, %add3A_669, %select_n3A_658 : vector<2048x128xf32>
    %select_n3A_671 = arith.select %lt3A_670, %add3A_669, %select_n3A_658 : vector<2048x128xi1>, vector<2048x128xf32>
    %jit3A_672 = arith.constant 4.600000e+01 : f32
    %broadcast_in_dim3A_673 = vector.broadcast %jit3A_672 : f32 to vector<2048x128xf32>
    %select_n3A_674 = arith.select %lt3A_670, %broadcast_in_dim3A_673, %select_n3A_661 : vector<2048x128xi1>, vector<2048x128xf32>
    %get3A_675 = arith.constant 0 : index
    %get3A_676 = arith.constant 6016 : index
    %get3A_677 = vector.load %arg4[%get3A_675, %get3A_676] : memref<1x8192xf32, #tpu.memory_space<vmem>>, vector<1x128xf32>
    %add3A_678 = vector.broadcast %get3A_6 : vector<2048x1xf32> to vector<2048x128xf32>
    %add3A_679 = vector.broadcast %get3A_677 : vector<1x128xf32> to vector<2048x128xf32>
    %add3A_680 = arith.addf %add3A_678, %add3A_679 : vector<2048x128xf32>
    %slice3A_681 = vector.extract_strided_slice %dot_general3A_635 {offsets = [0, 384], sizes = [2048, 128], strides = [1, 1]} : vector<2048x512xf32> to vector<2048x128xf32>
    %add3A_682 = arith.addf %add3A_680, %slice3A_681 : vector<2048x128xf32>
    %lt3A_683 = arith.cmpf olt, %add3A_682, %select_n3A_671 : vector<2048x128xf32>
    %select_n3A_684 = arith.select %lt3A_683, %add3A_682, %select_n3A_671 : vector<2048x128xi1>, vector<2048x128xf32>
    %jit3A_685 = arith.constant 4.700000e+01 : f32
    %broadcast_in_dim3A_686 = vector.broadcast %jit3A_685 : f32 to vector<2048x128xf32>
    %select_n3A_687 = arith.select %lt3A_683, %broadcast_in_dim3A_686, %select_n3A_674 : vector<2048x128xi1>, vector<2048x128xf32>
    %get3A_688 = arith.constant 0 : index
    %get3A_689 = arith.constant 6144 : index
    %get3A_690 = vector.load %arg3[%get3A_688, %get3A_689] : memref<256x8192xbf16, #tpu.memory_space<vmem>>, vector<256x512xbf16>
    %dot_general3A_691 = arith.constant dense<0.000000e+00> : vector<2048x512xf32>
    %dot_general3A_692 = tpu.matmul %convert_element_type3A, %get3A_690, %dot_general3A_691 {dimension_numbers = #tpu.dot_dimension_numbers<[1], [0], [0], [1], [0, 0, 1, 1], [], []>, transpose_lhs_hint = false} : vector<2048x256xbf16>, vector<256x512xbf16>, vector<2048x512xf32> -> vector<2048x512xf32>
    %get3A_693 = arith.constant 0 : index
    %get3A_694 = arith.constant 6144 : index
    %get3A_695 = vector.load %arg4[%get3A_693, %get3A_694] : memref<1x8192xf32, #tpu.memory_space<vmem>>, vector<1x128xf32>
    %add3A_696 = vector.broadcast %get3A_6 : vector<2048x1xf32> to vector<2048x128xf32>
    %add3A_697 = vector.broadcast %get3A_695 : vector<1x128xf32> to vector<2048x128xf32>
    %add3A_698 = arith.addf %add3A_696, %add3A_697 : vector<2048x128xf32>
    %slice3A_699 = vector.extract_strided_slice %dot_general3A_692 {offsets = [0, 0], sizes = [2048, 128], strides = [1, 1]} : vector<2048x512xf32> to vector<2048x128xf32>
    %add3A_700 = arith.addf %add3A_698, %slice3A_699 : vector<2048x128xf32>
    %lt3A_701 = arith.cmpf olt, %add3A_700, %select_n3A_684 : vector<2048x128xf32>
    %select_n3A_702 = arith.select %lt3A_701, %add3A_700, %select_n3A_684 : vector<2048x128xi1>, vector<2048x128xf32>
    %jit3A_703 = arith.constant 4.800000e+01 : f32
    %broadcast_in_dim3A_704 = vector.broadcast %jit3A_703 : f32 to vector<2048x128xf32>
    %select_n3A_705 = arith.select %lt3A_701, %broadcast_in_dim3A_704, %select_n3A_687 : vector<2048x128xi1>, vector<2048x128xf32>
    %get3A_706 = arith.constant 0 : index
    %get3A_707 = arith.constant 6272 : index
    %get3A_708 = vector.load %arg4[%get3A_706, %get3A_707] : memref<1x8192xf32, #tpu.memory_space<vmem>>, vector<1x128xf32>
    %add3A_709 = vector.broadcast %get3A_6 : vector<2048x1xf32> to vector<2048x128xf32>
    %add3A_710 = vector.broadcast %get3A_708 : vector<1x128xf32> to vector<2048x128xf32>
    %add3A_711 = arith.addf %add3A_709, %add3A_710 : vector<2048x128xf32>
    %slice3A_712 = vector.extract_strided_slice %dot_general3A_692 {offsets = [0, 128], sizes = [2048, 128], strides = [1, 1]} : vector<2048x512xf32> to vector<2048x128xf32>
    %add3A_713 = arith.addf %add3A_711, %slice3A_712 : vector<2048x128xf32>
    %lt3A_714 = arith.cmpf olt, %add3A_713, %select_n3A_702 : vector<2048x128xf32>
    %select_n3A_715 = arith.select %lt3A_714, %add3A_713, %select_n3A_702 : vector<2048x128xi1>, vector<2048x128xf32>
    %jit3A_716 = arith.constant 4.900000e+01 : f32
    %broadcast_in_dim3A_717 = vector.broadcast %jit3A_716 : f32 to vector<2048x128xf32>
    %select_n3A_718 = arith.select %lt3A_714, %broadcast_in_dim3A_717, %select_n3A_705 : vector<2048x128xi1>, vector<2048x128xf32>
    %get3A_719 = arith.constant 0 : index
    %get3A_720 = arith.constant 6400 : index
    %get3A_721 = vector.load %arg4[%get3A_719, %get3A_720] : memref<1x8192xf32, #tpu.memory_space<vmem>>, vector<1x128xf32>
    %add3A_722 = vector.broadcast %get3A_6 : vector<2048x1xf32> to vector<2048x128xf32>
    %add3A_723 = vector.broadcast %get3A_721 : vector<1x128xf32> to vector<2048x128xf32>
    %add3A_724 = arith.addf %add3A_722, %add3A_723 : vector<2048x128xf32>
    %slice3A_725 = vector.extract_strided_slice %dot_general3A_692 {offsets = [0, 256], sizes = [2048, 128], strides = [1, 1]} : vector<2048x512xf32> to vector<2048x128xf32>
    %add3A_726 = arith.addf %add3A_724, %slice3A_725 : vector<2048x128xf32>
    %lt3A_727 = arith.cmpf olt, %add3A_726, %select_n3A_715 : vector<2048x128xf32>
    %select_n3A_728 = arith.select %lt3A_727, %add3A_726, %select_n3A_715 : vector<2048x128xi1>, vector<2048x128xf32>
    %jit3A_729 = arith.constant 5.000000e+01 : f32
    %broadcast_in_dim3A_730 = vector.broadcast %jit3A_729 : f32 to vector<2048x128xf32>
    %select_n3A_731 = arith.select %lt3A_727, %broadcast_in_dim3A_730, %select_n3A_718 : vector<2048x128xi1>, vector<2048x128xf32>
    %get3A_732 = arith.constant 0 : index
    %get3A_733 = arith.constant 6528 : index
    %get3A_734 = vector.load %arg4[%get3A_732, %get3A_733] : memref<1x8192xf32, #tpu.memory_space<vmem>>, vector<1x128xf32>
    %add3A_735 = vector.broadcast %get3A_6 : vector<2048x1xf32> to vector<2048x128xf32>
    %add3A_736 = vector.broadcast %get3A_734 : vector<1x128xf32> to vector<2048x128xf32>
    %add3A_737 = arith.addf %add3A_735, %add3A_736 : vector<2048x128xf32>
    %slice3A_738 = vector.extract_strided_slice %dot_general3A_692 {offsets = [0, 384], sizes = [2048, 128], strides = [1, 1]} : vector<2048x512xf32> to vector<2048x128xf32>
    %add3A_739 = arith.addf %add3A_737, %slice3A_738 : vector<2048x128xf32>
    %lt3A_740 = arith.cmpf olt, %add3A_739, %select_n3A_728 : vector<2048x128xf32>
    %select_n3A_741 = arith.select %lt3A_740, %add3A_739, %select_n3A_728 : vector<2048x128xi1>, vector<2048x128xf32>
    %jit3A_742 = arith.constant 5.100000e+01 : f32
    %broadcast_in_dim3A_743 = vector.broadcast %jit3A_742 : f32 to vector<2048x128xf32>
    %select_n3A_744 = arith.select %lt3A_740, %broadcast_in_dim3A_743, %select_n3A_731 : vector<2048x128xi1>, vector<2048x128xf32>
    %get3A_745 = arith.constant 0 : index
    %get3A_746 = arith.constant 6656 : index
    %get3A_747 = vector.load %arg3[%get3A_745, %get3A_746] : memref<256x8192xbf16, #tpu.memory_space<vmem>>, vector<256x512xbf16>
    %dot_general3A_748 = arith.constant dense<0.000000e+00> : vector<2048x512xf32>
    %dot_general3A_749 = tpu.matmul %convert_element_type3A, %get3A_747, %dot_general3A_748 {dimension_numbers = #tpu.dot_dimension_numbers<[1], [0], [0], [1], [0, 0, 1, 1], [], []>, transpose_lhs_hint = false} : vector<2048x256xbf16>, vector<256x512xbf16>, vector<2048x512xf32> -> vector<2048x512xf32>
    %get3A_750 = arith.constant 0 : index
    %get3A_751 = arith.constant 6656 : index
    %get3A_752 = vector.load %arg4[%get3A_750, %get3A_751] : memref<1x8192xf32, #tpu.memory_space<vmem>>, vector<1x128xf32>
    %add3A_753 = vector.broadcast %get3A_6 : vector<2048x1xf32> to vector<2048x128xf32>
    %add3A_754 = vector.broadcast %get3A_752 : vector<1x128xf32> to vector<2048x128xf32>
    %add3A_755 = arith.addf %add3A_753, %add3A_754 : vector<2048x128xf32>
    %slice3A_756 = vector.extract_strided_slice %dot_general3A_749 {offsets = [0, 0], sizes = [2048, 128], strides = [1, 1]} : vector<2048x512xf32> to vector<2048x128xf32>
    %add3A_757 = arith.addf %add3A_755, %slice3A_756 : vector<2048x128xf32>
    %lt3A_758 = arith.cmpf olt, %add3A_757, %select_n3A_741 : vector<2048x128xf32>
    %select_n3A_759 = arith.select %lt3A_758, %add3A_757, %select_n3A_741 : vector<2048x128xi1>, vector<2048x128xf32>
    %jit3A_760 = arith.constant 5.200000e+01 : f32
    %broadcast_in_dim3A_761 = vector.broadcast %jit3A_760 : f32 to vector<2048x128xf32>
    %select_n3A_762 = arith.select %lt3A_758, %broadcast_in_dim3A_761, %select_n3A_744 : vector<2048x128xi1>, vector<2048x128xf32>
    %get3A_763 = arith.constant 0 : index
    %get3A_764 = arith.constant 6784 : index
    %get3A_765 = vector.load %arg4[%get3A_763, %get3A_764] : memref<1x8192xf32, #tpu.memory_space<vmem>>, vector<1x128xf32>
    %add3A_766 = vector.broadcast %get3A_6 : vector<2048x1xf32> to vector<2048x128xf32>
    %add3A_767 = vector.broadcast %get3A_765 : vector<1x128xf32> to vector<2048x128xf32>
    %add3A_768 = arith.addf %add3A_766, %add3A_767 : vector<2048x128xf32>
    %slice3A_769 = vector.extract_strided_slice %dot_general3A_749 {offsets = [0, 128], sizes = [2048, 128], strides = [1, 1]} : vector<2048x512xf32> to vector<2048x128xf32>
    %add3A_770 = arith.addf %add3A_768, %slice3A_769 : vector<2048x128xf32>
    %lt3A_771 = arith.cmpf olt, %add3A_770, %select_n3A_759 : vector<2048x128xf32>
    %select_n3A_772 = arith.select %lt3A_771, %add3A_770, %select_n3A_759 : vector<2048x128xi1>, vector<2048x128xf32>
    %jit3A_773 = arith.constant 5.300000e+01 : f32
    %broadcast_in_dim3A_774 = vector.broadcast %jit3A_773 : f32 to vector<2048x128xf32>
    %select_n3A_775 = arith.select %lt3A_771, %broadcast_in_dim3A_774, %select_n3A_762 : vector<2048x128xi1>, vector<2048x128xf32>
    %get3A_776 = arith.constant 0 : index
    %get3A_777 = arith.constant 6912 : index
    %get3A_778 = vector.load %arg4[%get3A_776, %get3A_777] : memref<1x8192xf32, #tpu.memory_space<vmem>>, vector<1x128xf32>
    %add3A_779 = vector.broadcast %get3A_6 : vector<2048x1xf32> to vector<2048x128xf32>
    %add3A_780 = vector.broadcast %get3A_778 : vector<1x128xf32> to vector<2048x128xf32>
    %add3A_781 = arith.addf %add3A_779, %add3A_780 : vector<2048x128xf32>
    %slice3A_782 = vector.extract_strided_slice %dot_general3A_749 {offsets = [0, 256], sizes = [2048, 128], strides = [1, 1]} : vector<2048x512xf32> to vector<2048x128xf32>
    %add3A_783 = arith.addf %add3A_781, %slice3A_782 : vector<2048x128xf32>
    %lt3A_784 = arith.cmpf olt, %add3A_783, %select_n3A_772 : vector<2048x128xf32>
    %select_n3A_785 = arith.select %lt3A_784, %add3A_783, %select_n3A_772 : vector<2048x128xi1>, vector<2048x128xf32>
    %jit3A_786 = arith.constant 5.400000e+01 : f32
    %broadcast_in_dim3A_787 = vector.broadcast %jit3A_786 : f32 to vector<2048x128xf32>
    %select_n3A_788 = arith.select %lt3A_784, %broadcast_in_dim3A_787, %select_n3A_775 : vector<2048x128xi1>, vector<2048x128xf32>
    %get3A_789 = arith.constant 0 : index
    %get3A_790 = arith.constant 7040 : index
    %get3A_791 = vector.load %arg4[%get3A_789, %get3A_790] : memref<1x8192xf32, #tpu.memory_space<vmem>>, vector<1x128xf32>
    %add3A_792 = vector.broadcast %get3A_6 : vector<2048x1xf32> to vector<2048x128xf32>
    %add3A_793 = vector.broadcast %get3A_791 : vector<1x128xf32> to vector<2048x128xf32>
    %add3A_794 = arith.addf %add3A_792, %add3A_793 : vector<2048x128xf32>
    %slice3A_795 = vector.extract_strided_slice %dot_general3A_749 {offsets = [0, 384], sizes = [2048, 128], strides = [1, 1]} : vector<2048x512xf32> to vector<2048x128xf32>
    %add3A_796 = arith.addf %add3A_794, %slice3A_795 : vector<2048x128xf32>
    %lt3A_797 = arith.cmpf olt, %add3A_796, %select_n3A_785 : vector<2048x128xf32>
    %select_n3A_798 = arith.select %lt3A_797, %add3A_796, %select_n3A_785 : vector<2048x128xi1>, vector<2048x128xf32>
    %jit3A_799 = arith.constant 5.500000e+01 : f32
    %broadcast_in_dim3A_800 = vector.broadcast %jit3A_799 : f32 to vector<2048x128xf32>
    %select_n3A_801 = arith.select %lt3A_797, %broadcast_in_dim3A_800, %select_n3A_788 : vector<2048x128xi1>, vector<2048x128xf32>
    %get3A_802 = arith.constant 0 : index
    %get3A_803 = arith.constant 7168 : index
    %get3A_804 = vector.load %arg3[%get3A_802, %get3A_803] : memref<256x8192xbf16, #tpu.memory_space<vmem>>, vector<256x512xbf16>
    %dot_general3A_805 = arith.constant dense<0.000000e+00> : vector<2048x512xf32>
    %dot_general3A_806 = tpu.matmul %convert_element_type3A, %get3A_804, %dot_general3A_805 {dimension_numbers = #tpu.dot_dimension_numbers<[1], [0], [0], [1], [0, 0, 1, 1], [], []>, transpose_lhs_hint = false} : vector<2048x256xbf16>, vector<256x512xbf16>, vector<2048x512xf32> -> vector<2048x512xf32>
    %get3A_807 = arith.constant 0 : index
    %get3A_808 = arith.constant 7168 : index
    %get3A_809 = vector.load %arg4[%get3A_807, %get3A_808] : memref<1x8192xf32, #tpu.memory_space<vmem>>, vector<1x128xf32>
    %add3A_810 = vector.broadcast %get3A_6 : vector<2048x1xf32> to vector<2048x128xf32>
    %add3A_811 = vector.broadcast %get3A_809 : vector<1x128xf32> to vector<2048x128xf32>
    %add3A_812 = arith.addf %add3A_810, %add3A_811 : vector<2048x128xf32>
    %slice3A_813 = vector.extract_strided_slice %dot_general3A_806 {offsets = [0, 0], sizes = [2048, 128], strides = [1, 1]} : vector<2048x512xf32> to vector<2048x128xf32>
    %add3A_814 = arith.addf %add3A_812, %slice3A_813 : vector<2048x128xf32>
    %lt3A_815 = arith.cmpf olt, %add3A_814, %select_n3A_798 : vector<2048x128xf32>
    %select_n3A_816 = arith.select %lt3A_815, %add3A_814, %select_n3A_798 : vector<2048x128xi1>, vector<2048x128xf32>
    %jit3A_817 = arith.constant 5.600000e+01 : f32
    %broadcast_in_dim3A_818 = vector.broadcast %jit3A_817 : f32 to vector<2048x128xf32>
    %select_n3A_819 = arith.select %lt3A_815, %broadcast_in_dim3A_818, %select_n3A_801 : vector<2048x128xi1>, vector<2048x128xf32>
    %get3A_820 = arith.constant 0 : index
    %get3A_821 = arith.constant 7296 : index
    %get3A_822 = vector.load %arg4[%get3A_820, %get3A_821] : memref<1x8192xf32, #tpu.memory_space<vmem>>, vector<1x128xf32>
    %add3A_823 = vector.broadcast %get3A_6 : vector<2048x1xf32> to vector<2048x128xf32>
    %add3A_824 = vector.broadcast %get3A_822 : vector<1x128xf32> to vector<2048x128xf32>
    %add3A_825 = arith.addf %add3A_823, %add3A_824 : vector<2048x128xf32>
    %slice3A_826 = vector.extract_strided_slice %dot_general3A_806 {offsets = [0, 128], sizes = [2048, 128], strides = [1, 1]} : vector<2048x512xf32> to vector<2048x128xf32>
    %add3A_827 = arith.addf %add3A_825, %slice3A_826 : vector<2048x128xf32>
    %lt3A_828 = arith.cmpf olt, %add3A_827, %select_n3A_816 : vector<2048x128xf32>
    %select_n3A_829 = arith.select %lt3A_828, %add3A_827, %select_n3A_816 : vector<2048x128xi1>, vector<2048x128xf32>
    %jit3A_830 = arith.constant 5.700000e+01 : f32
    %broadcast_in_dim3A_831 = vector.broadcast %jit3A_830 : f32 to vector<2048x128xf32>
    %select_n3A_832 = arith.select %lt3A_828, %broadcast_in_dim3A_831, %select_n3A_819 : vector<2048x128xi1>, vector<2048x128xf32>
    %get3A_833 = arith.constant 0 : index
    %get3A_834 = arith.constant 7424 : index
    %get3A_835 = vector.load %arg4[%get3A_833, %get3A_834] : memref<1x8192xf32, #tpu.memory_space<vmem>>, vector<1x128xf32>
    %add3A_836 = vector.broadcast %get3A_6 : vector<2048x1xf32> to vector<2048x128xf32>
    %add3A_837 = vector.broadcast %get3A_835 : vector<1x128xf32> to vector<2048x128xf32>
    %add3A_838 = arith.addf %add3A_836, %add3A_837 : vector<2048x128xf32>
    %slice3A_839 = vector.extract_strided_slice %dot_general3A_806 {offsets = [0, 256], sizes = [2048, 128], strides = [1, 1]} : vector<2048x512xf32> to vector<2048x128xf32>
    %add3A_840 = arith.addf %add3A_838, %slice3A_839 : vector<2048x128xf32>
    %lt3A_841 = arith.cmpf olt, %add3A_840, %select_n3A_829 : vector<2048x128xf32>
    %select_n3A_842 = arith.select %lt3A_841, %add3A_840, %select_n3A_829 : vector<2048x128xi1>, vector<2048x128xf32>
    %jit3A_843 = arith.constant 5.800000e+01 : f32
    %broadcast_in_dim3A_844 = vector.broadcast %jit3A_843 : f32 to vector<2048x128xf32>
    %select_n3A_845 = arith.select %lt3A_841, %broadcast_in_dim3A_844, %select_n3A_832 : vector<2048x128xi1>, vector<2048x128xf32>
    %get3A_846 = arith.constant 0 : index
    %get3A_847 = arith.constant 7552 : index
    %get3A_848 = vector.load %arg4[%get3A_846, %get3A_847] : memref<1x8192xf32, #tpu.memory_space<vmem>>, vector<1x128xf32>
    %add3A_849 = vector.broadcast %get3A_6 : vector<2048x1xf32> to vector<2048x128xf32>
    %add3A_850 = vector.broadcast %get3A_848 : vector<1x128xf32> to vector<2048x128xf32>
    %add3A_851 = arith.addf %add3A_849, %add3A_850 : vector<2048x128xf32>
    %slice3A_852 = vector.extract_strided_slice %dot_general3A_806 {offsets = [0, 384], sizes = [2048, 128], strides = [1, 1]} : vector<2048x512xf32> to vector<2048x128xf32>
    %add3A_853 = arith.addf %add3A_851, %slice3A_852 : vector<2048x128xf32>
    %lt3A_854 = arith.cmpf olt, %add3A_853, %select_n3A_842 : vector<2048x128xf32>
    %select_n3A_855 = arith.select %lt3A_854, %add3A_853, %select_n3A_842 : vector<2048x128xi1>, vector<2048x128xf32>
    %jit3A_856 = arith.constant 5.900000e+01 : f32
    %broadcast_in_dim3A_857 = vector.broadcast %jit3A_856 : f32 to vector<2048x128xf32>
    %select_n3A_858 = arith.select %lt3A_854, %broadcast_in_dim3A_857, %select_n3A_845 : vector<2048x128xi1>, vector<2048x128xf32>
    %get3A_859 = arith.constant 0 : index
    %get3A_860 = arith.constant 7680 : index
    %get3A_861 = vector.load %arg3[%get3A_859, %get3A_860] : memref<256x8192xbf16, #tpu.memory_space<vmem>>, vector<256x512xbf16>
    %dot_general3A_862 = arith.constant dense<0.000000e+00> : vector<2048x512xf32>
    %dot_general3A_863 = tpu.matmul %convert_element_type3A, %get3A_861, %dot_general3A_862 {dimension_numbers = #tpu.dot_dimension_numbers<[1], [0], [0], [1], [0, 0, 1, 1], [], []>, transpose_lhs_hint = false} : vector<2048x256xbf16>, vector<256x512xbf16>, vector<2048x512xf32> -> vector<2048x512xf32>
    %get3A_864 = arith.constant 0 : index
    %get3A_865 = arith.constant 7680 : index
    %get3A_866 = vector.load %arg4[%get3A_864, %get3A_865] : memref<1x8192xf32, #tpu.memory_space<vmem>>, vector<1x128xf32>
    %add3A_867 = vector.broadcast %get3A_6 : vector<2048x1xf32> to vector<2048x128xf32>
    %add3A_868 = vector.broadcast %get3A_866 : vector<1x128xf32> to vector<2048x128xf32>
    %add3A_869 = arith.addf %add3A_867, %add3A_868 : vector<2048x128xf32>
    %slice3A_870 = vector.extract_strided_slice %dot_general3A_863 {offsets = [0, 0], sizes = [2048, 128], strides = [1, 1]} : vector<2048x512xf32> to vector<2048x128xf32>
    %add3A_871 = arith.addf %add3A_869, %slice3A_870 : vector<2048x128xf32>
    %lt3A_872 = arith.cmpf olt, %add3A_871, %select_n3A_855 : vector<2048x128xf32>
    %select_n3A_873 = arith.select %lt3A_872, %add3A_871, %select_n3A_855 : vector<2048x128xi1>, vector<2048x128xf32>
    %jit3A_874 = arith.constant 6.000000e+01 : f32
    %broadcast_in_dim3A_875 = vector.broadcast %jit3A_874 : f32 to vector<2048x128xf32>
    %select_n3A_876 = arith.select %lt3A_872, %broadcast_in_dim3A_875, %select_n3A_858 : vector<2048x128xi1>, vector<2048x128xf32>
    %get3A_877 = arith.constant 0 : index
    %get3A_878 = arith.constant 7808 : index
    %get3A_879 = vector.load %arg4[%get3A_877, %get3A_878] : memref<1x8192xf32, #tpu.memory_space<vmem>>, vector<1x128xf32>
    %add3A_880 = vector.broadcast %get3A_6 : vector<2048x1xf32> to vector<2048x128xf32>
    %add3A_881 = vector.broadcast %get3A_879 : vector<1x128xf32> to vector<2048x128xf32>
    %add3A_882 = arith.addf %add3A_880, %add3A_881 : vector<2048x128xf32>
    %slice3A_883 = vector.extract_strided_slice %dot_general3A_863 {offsets = [0, 128], sizes = [2048, 128], strides = [1, 1]} : vector<2048x512xf32> to vector<2048x128xf32>
    %add3A_884 = arith.addf %add3A_882, %slice3A_883 : vector<2048x128xf32>
    %lt3A_885 = arith.cmpf olt, %add3A_884, %select_n3A_873 : vector<2048x128xf32>
    %select_n3A_886 = arith.select %lt3A_885, %add3A_884, %select_n3A_873 : vector<2048x128xi1>, vector<2048x128xf32>
    %jit3A_887 = arith.constant 6.100000e+01 : f32
    %broadcast_in_dim3A_888 = vector.broadcast %jit3A_887 : f32 to vector<2048x128xf32>
    %select_n3A_889 = arith.select %lt3A_885, %broadcast_in_dim3A_888, %select_n3A_876 : vector<2048x128xi1>, vector<2048x128xf32>
    %get3A_890 = arith.constant 0 : index
    %get3A_891 = arith.constant 7936 : index
    %get3A_892 = vector.load %arg4[%get3A_890, %get3A_891] : memref<1x8192xf32, #tpu.memory_space<vmem>>, vector<1x128xf32>
    %add3A_893 = vector.broadcast %get3A_6 : vector<2048x1xf32> to vector<2048x128xf32>
    %add3A_894 = vector.broadcast %get3A_892 : vector<1x128xf32> to vector<2048x128xf32>
    %add3A_895 = arith.addf %add3A_893, %add3A_894 : vector<2048x128xf32>
    %slice3A_896 = vector.extract_strided_slice %dot_general3A_863 {offsets = [0, 256], sizes = [2048, 128], strides = [1, 1]} : vector<2048x512xf32> to vector<2048x128xf32>
    %add3A_897 = arith.addf %add3A_895, %slice3A_896 : vector<2048x128xf32>
    %lt3A_898 = arith.cmpf olt, %add3A_897, %select_n3A_886 : vector<2048x128xf32>
    %select_n3A_899 = arith.select %lt3A_898, %add3A_897, %select_n3A_886 : vector<2048x128xi1>, vector<2048x128xf32>
    %jit3A_900 = arith.constant 6.200000e+01 : f32
    %broadcast_in_dim3A_901 = vector.broadcast %jit3A_900 : f32 to vector<2048x128xf32>
    %select_n3A_902 = arith.select %lt3A_898, %broadcast_in_dim3A_901, %select_n3A_889 : vector<2048x128xi1>, vector<2048x128xf32>
    %get3A_903 = arith.constant 0 : index
    %get3A_904 = arith.constant 8064 : index
    %get3A_905 = vector.load %arg4[%get3A_903, %get3A_904] : memref<1x8192xf32, #tpu.memory_space<vmem>>, vector<1x128xf32>
    %add3A_906 = vector.broadcast %get3A_6 : vector<2048x1xf32> to vector<2048x128xf32>
    %add3A_907 = vector.broadcast %get3A_905 : vector<1x128xf32> to vector<2048x128xf32>
    %add3A_908 = arith.addf %add3A_906, %add3A_907 : vector<2048x128xf32>
    %slice3A_909 = vector.extract_strided_slice %dot_general3A_863 {offsets = [0, 384], sizes = [2048, 128], strides = [1, 1]} : vector<2048x512xf32> to vector<2048x128xf32>
    %add3A_910 = arith.addf %add3A_908, %slice3A_909 : vector<2048x128xf32>
    %lt3A_911 = arith.cmpf olt, %add3A_910, %select_n3A_899 : vector<2048x128xf32>
    %select_n3A_912 = arith.select %lt3A_911, %add3A_910, %select_n3A_899 : vector<2048x128xi1>, vector<2048x128xf32>
    %jit3A_913 = arith.constant 6.300000e+01 : f32
    %broadcast_in_dim3A_914 = vector.broadcast %jit3A_913 : f32 to vector<2048x128xf32>
    %select_n3A_915 = arith.select %lt3A_911, %broadcast_in_dim3A_914, %select_n3A_902 : vector<2048x128xi1>, vector<2048x128xf32>
    %reduce_min3A = arith.constant dense<0x7F800000> : vector<2048xf32>
    %reduce_min3A_916 = vector.multi_reduction <minimumf>, %select_n3A_912, %reduce_min3A [1] : vector<2048x128xf32> to vector<2048xf32>
    %broadcast_in_dim3A_917 = vector.shape_cast %reduce_min3A_916 : vector<2048xf32> to vector<2048x1xf32>
    %iota3A = tpu.iota {dimensions = array<i32: 1>} : vector<2048x128xi32>
    %convert_element_type3A_918 = arith.sitofp %iota3A : vector<2048x128xi32> to vector<2048x128xf32>
    %eq3A = vector.broadcast %broadcast_in_dim3A_917 : vector<2048x1xf32> to vector<2048x128xf32>
    %eq3A_919 = arith.cmpf oeq, %select_n3A_912, %eq3A : vector<2048x128xf32>
    %mul3A_920 = arith.constant 1.280000e+02 : f32
    %mul3A_921 = vector.broadcast %mul3A_920 : f32 to vector<2048x128xf32>
    %mul3A_922 = arith.mulf %select_n3A_915, %mul3A_921 : vector<2048x128xf32>
    %add3A_923 = arith.addf %mul3A_922, %convert_element_type3A_918 : vector<2048x128xf32>
    %jit3A_924 = arith.constant 8.192000e+03 : f32
    %broadcast_in_dim3A_925 = vector.broadcast %jit3A_924 : f32 to vector<2048x128xf32>
    %select_n3A_926 = arith.select %eq3A_919, %add3A_923, %broadcast_in_dim3A_925 : vector<2048x128xi1>, vector<2048x128xf32>
    %reduce_min3A_927 = arith.constant dense<0x7F800000> : vector<2048xf32>
    %reduce_min3A_928 = vector.multi_reduction <minimumf>, %select_n3A_926, %reduce_min3A_927 [1] : vector<2048x128xf32> to vector<2048xf32>
    %convert_element_type3A_929 = arith.fptosi %reduce_min3A_928 : vector<2048xf32> to vector<2048xi32>
    %broadcast_in_dim3A_930 = vector.shape_cast %convert_element_type3A_929 : vector<2048xi32> to vector<2048x1xi32>
    %swap3A = arith.constant 0 : index
    %swap3A_931 = arith.constant 0 : index
    %swap3A_932 = vector.load %arg5[%swap3A, %swap3A_931] : memref<2048x1xi32, #tpu.memory_space<vmem>>, vector<2048x1xi32>
    tpu.vector_store %arg5[%swap3A, %swap3A_931], %broadcast_in_dim3A_930 {strides = array<i32>} : memref<2048x1xi32, #tpu.memory_space<vmem>>, vector<2048x1xi32>,
    return
  }
  func.func @transform_0(%arg0: i32) -> (i32, i32) {
    %c0_i32 = arith.constant 0 : i32
    %c0_i32_0 = arith.constant 0 : i32
    return %arg0, %c0_i32 : i32, i32
  }
  func.func @transform_1(%arg0: i32) -> (i32, i32) {
    %c0_i32 = arith.constant 0 : i32
    %c0_i32_0 = arith.constant 0 : i32
    return %arg0, %c0_i32 : i32, i32
  }
  func.func @transform_2(%arg0: i32) -> (i32, i32) {
    %c0_i32 = arith.constant 0 : i32
    %c0_i32_0 = arith.constant 0 : i32
    %c0_i32_1 = arith.constant 0 : i32
    return %c0_i32, %c0_i32_0 : i32, i32
  }
  func.func @transform_3(%arg0: i32) -> (i32, i32) {
    %c0_i32 = arith.constant 0 : i32
    %c0_i32_0 = arith.constant 0 : i32
    %c0_i32_1 = arith.constant 0 : i32
    return %c0_i32, %c0_i32_0 : i32, i32
  }
  func.func @transform_4(%arg0: i32) -> (i32, i32) {
    %c0_i32 = arith.constant 0 : i32
    %c0_i32_0 = arith.constant 0 : i32
    return %arg0, %c0_i32 : i32, i32
  }
}

module attributes {stable_mosaic.version = 14 : i64} {
  func.func @_st_loss_body(%arg0: i32, %arg1: memref<2048x256xf32, #tpu.memory_space<vmem>>, %arg2: memref<2048x256xf32, #tpu.memory_space<vmem>>, %arg3: memref<2048x256xf32, #tpu.memory_space<vmem>>, %arg4: memref<1x1xf32, #tpu.memory_space<vmem>>) attributes {dimension_semantics = [#tpu.dimension_semantics<arbitrary>], iteration_bounds = array<i64: 4>, scalar_prefetch = 0 : i64, scratch_operands = 0 : i64, tpu.core_type = #tpu.core_type<tc>, window_params = [{transform_indices = @transform_0, window_bounds = array<i64: 2048, 256>}, {transform_indices = @transform_1, window_bounds = array<i64: 2048, 256>}, {transform_indices = @transform_2, window_bounds = array<i64: 2048, 256>}, {pipeline_mode = #tpu.pipeline_mode<synchronous>, transform_indices = @transform_3, window_bounds = array<i64: 1, 1>}]} {
    %get3A = arith.constant 0 : index
    %get3A_0 = arith.constant 0 : index
    %get3A_1 = vector.load %arg1[%get3A, %get3A_0] : memref<2048x256xf32, #tpu.memory_space<vmem>>, vector<2048x256xf32>
    %get3A_2 = arith.constant 0 : index
    %get3A_3 = arith.constant 0 : index
    %get3A_4 = vector.load %arg2[%get3A_2, %get3A_3] : memref<2048x256xf32, #tpu.memory_space<vmem>>, vector<2048x256xf32>
    %sub3A = arith.subf %get3A_4, %get3A_1 : vector<2048x256xf32>
    %add3A = arith.addf %get3A_1, %sub3A : vector<2048x256xf32>
    %swap3A = arith.constant 0 : index
    %swap3A_5 = arith.constant 0 : index
    %swap3A_6 = vector.load %arg3[%swap3A, %swap3A_5] : memref<2048x256xf32, #tpu.memory_space<vmem>>, vector<2048x256xf32>
    tpu.vector_store %arg3[%swap3A, %swap3A_5], %add3A {strides = array<i32>} : memref<2048x256xf32, #tpu.memory_space<vmem>>, vector<2048x256xf32>,
    %eq3A = arith.constant 0 : i32
    %eq3A_7 = arith.cmpi eq, %arg0, %eq3A : i32
    %convert_element_type3A = arith.extui %eq3A_7 : i1 to i32
    %cond3A = arith.constant 0 : i32
    %cond3A_8 = arith.cmpi ne, %convert_element_type3A, %cond3A : i32
    scf.if %cond3A_8 {
      %broadcast_in_dim3A = arith.constant 0.000000e+00 : f32
      %broadcast_in_dim3A_20 = vector.broadcast %broadcast_in_dim3A : f32 to vector<1x1xf32>
      %swap3A_21 = arith.constant 0 : index
      %swap3A_22 = arith.constant 0 : index
      %swap3A_23 = vector.load %arg4[%swap3A_21, %swap3A_22] : memref<1x1xf32, #tpu.memory_space<vmem>>, vector<1x1xf32>
      tpu.vector_store %arg4[%swap3A_21, %swap3A_22], %broadcast_in_dim3A_20 {strides = array<i32>} : memref<1x1xf32, #tpu.memory_space<vmem>>, vector<1x1xf32>,
    } else {
    }
    %get3A_9 = arith.constant 0 : index
    %get3A_10 = arith.constant 0 : index
    %get3A_11 = vector.load %arg4[%get3A_9, %get3A_10] : memref<1x1xf32, #tpu.memory_space<vmem>>, vector<1x1xf32>
    %mul3A = arith.mulf %sub3A, %sub3A : vector<2048x256xf32>
    %reduce_sum3A = vector.shape_cast %mul3A : vector<2048x256xf32> to vector<1x2048x256xf32>
    %reduce_sum3A_12 = arith.constant dense<0.000000e+00> : vector<1xf32>
    %reduce_sum3A_13 = vector.multi_reduction <add>, %reduce_sum3A, %reduce_sum3A_12 [1, 2] : vector<1x2048x256xf32> to vector<1xf32>
    %reduce_sum3A_14 = vector.shape_cast %reduce_sum3A_13 : vector<1xf32> to vector<1x1x1xf32>
    %reduce_sum3A_15 = vector.extract %reduce_sum3A_14[0, 0, 0] : f32 from vector<1x1x1xf32>
    %reshape3A = vector.broadcast %reduce_sum3A_15 : f32 to vector<1x1xf32>
    %add3A_16 = arith.addf %get3A_11, %reshape3A : vector<1x1xf32>
    %swap3A_17 = arith.constant 0 : index
    %swap3A_18 = arith.constant 0 : index
    %swap3A_19 = vector.load %arg4[%swap3A_17, %swap3A_18] : memref<1x1xf32, #tpu.memory_space<vmem>>, vector<1x1xf32>
    tpu.vector_store %arg4[%swap3A_17, %swap3A_18], %add3A_16 {strides = array<i32>} : memref<1x1xf32, #tpu.memory_space<vmem>>, vector<1x1xf32>,
    return
  }
  func.func @transform_0(%arg0: i32) -> (i32, i32) {
    %c0_i32 = arith.constant 0 : i32
    %c0_i32_0 = arith.constant 0 : i32
    return %arg0, %c0_i32 : i32, i32
  }
  func.func @transform_1(%arg0: i32) -> (i32, i32) {
    %c0_i32 = arith.constant 0 : i32
    %c0_i32_0 = arith.constant 0 : i32
    return %arg0, %c0_i32 : i32, i32
  }
  func.func @transform_2(%arg0: i32) -> (i32, i32) {
    %c0_i32 = arith.constant 0 : i32
    %c0_i32_0 = arith.constant 0 : i32
    return %arg0, %c0_i32 : i32, i32
  }
  func.func @transform_3(%arg0: i32) -> (i32, i32) {
    %c0_i32 = arith.constant 0 : i32
    %c0_i32_0 = arith.constant 0 : i32
    %c0_i32_1 = arith.constant 0 : i32
    return %c0_i32, %c0_i32_0 : i32, i32
  }
}

</mosaic_0001>

<sc_bundles>
// kernel: kernel.5.cloned.1.call-start
scs
__scs_entry_jumppad:
0x0: {  	(pc) =	sbr.rel $0x88, $3  }
0x1: {  	(tag) =	ssettag $0x0;
	lr =	simm.s32 $0x1  }
0x2: {  	[smem:$0x3F9F] =	sst lr;
	_ =	strace $0xD0000000  }
0x3: {  	_ = 	snop  }
0x4: {  	_ = 	snop  }
0x5: {  	_ = 	snop  }
0x6: {  	_ = 	snop  }
0x7: {  	_ = 	snop  }
__scs_overlays_trampoline_lowered:
0x8: {  	[smem:$0x3FAE] =	sst s0  }
0x9: {  	[smem:$0x3FAF] =	sst s1  }
0xa: {  	[smem:$0x3FB0] =	sst s2  }
0xb: {  	[smem:$0x3FB1] =	sst s3  }
0xc: {  	[smem:$0x3FB2] =	sst s4  }
0xd: {  	[smem:$0x3FB3] =	sst s5  }
0xe: {  	[smem:$0x3FB4] =	sst s6  }
0xf: {  	[smem:$0x3FB5] =	sst s7  }
0x10: {  	[smem:$0x3FB6] =	sst s8  }
0x11: {  	[smem:$0x3FB7] =	sst s9;
	s0 =	simm.s32 @!p0 $0x0  }
0x12: {  	s1 =	sld [smem:$0x3F9D];
	s0 =	simm.s32 @p0 $0x1  }
0x13: {  	[smem:$0x3FB8] =	sst s0;
	s0 =	simm.s32 @!p1 $0x0  }
0x14: {  	s2 =	sld [smem:$0x3F9C];
	s0 =	simm.s32 @p1 $0x1  }
0x15: {  	[smem:$0x3FB9] =	sst s0;
	s0 =	simm.s32 @!p2 $0x0  }
0x16: {  	s3 =	sld [smem:$0x3FDB];
	s0 =	simm.s32 @p2 $0x1  }
0x17: {  	s4 =	simm.s32 $0x1BF5;
	[smem:$0x3FBB] =	sst s0  }
0x18: {  	s0 =	sld [smem:$0x3F9E];
	_ =	swait.ge [sflag:s4], $0x0  }
0x19: {  	s7 =	sld [smem:$0x3F9F]  }
0x1a: {  	s8 =	sadd.s32 $0xFFFFE003, lr  }
0x1b: {  	s9 =	sadd.s32 $0xFFFFFEF7, lr;
	s5 =	simm.s32 $0xFFFFFFFF;
	p2 =	slt.u32 s8, $0xFFFFF086  }
0x1c: {  	p1 =	slt.u32 s9, $0xF7A;
	s5 =	simm.s32 @!p2 $0x0  }
0x1d: {  	s5 =	simm.s32 @p1 $0x1;
	p0 =	seq.s32 s7, s2  }
0x1e: {  	s7 =	smul.u32 @!p0 $0xF7A, s2;
	p2 =	seq.s32 @!p0 s5, $0x0  }
0x1f: {  	s9 =	smul.u32 $0xF7A, s1;
	s8 =	simm.s32 @!p0 $0x1BF5;
	p2 =	por !p2, p0  }
0x20: {  	[sflag:s8] =	ssyncset.s32 @!p0 $0xFFFFF086;
	s6 =	sadd.s32 @!p0 s3, s7;
	s7 =	simm.s32 @!p0 $0x108  }
0x21: {  	s3 =	sadd.s32 s3, s9;
	s6 =	sadd.s32 @!p0 $0x88, s6;
	s7 =	simm.s32 @p2 $0x1082  }
0x22: {  	[simem:s7], [sflag:s8] =	dma.local @!p0 [hbm:s6], $0xF7A  }
0x23: {  	s9 =	sor.u32 $0xD0000000, s2;
	s6 =	simm.s32 $0x108;
	_ =	swait.ge @!p0 [sflag:s8], $0x0  }
0x24: {  	s3 =	sadd.s32 $0x88, s3;
	s6 =	simm.s32 @!p1 $0x1082;
	[sflag:s4] =	ssyncset.s32 $0xFFFFF086  }
0x25: {  	[simem:s6], [sflag:s4] =	dma.local [hbm:s3], $0xF7A  }
0x26: {  	[smem:$0x3F9F] =	sst s1;
	(tag) =	ssettag s2;
	_ =	strace s9  }
0x27: {  	s1 =	sld [smem:$0x3FAF]  }
0x28: {  	s2 =	sld [smem:$0x3FB0]  }
0x29: {  	s4 =	sld [smem:$0x3FB2]  }
0x2a: {  	p0 =	seq.s32 s5, $0x0;
	s5 =	sld [smem:$0x3FB3]  }
0x2b: {  	s6 =	sld [smem:$0x3FB4]  }
0x2c: {  	s7 =	sld [smem:$0x3FB5]  }
0x2d: {  	s3 =	simm.s32 $0x108;
	s8 =	sld [smem:$0x3FB6]  }
0x2e: {  	s3 =	simm.s32 @!p0 $0x1082;
	s9 =	sld [smem:$0x3FB7]  }
0x2f: {  	lr =	sadd.s32 s0, s3;
	s0 =	sld [smem:$0x3FAE]  }
0x30: {  	s3 =	sld [smem:$0x3FB1]  }
0x31: {  	[smem:$0x3FBA] =	sst s10  }
0x32: {  	s10 =	sld [smem:$0x3FB8];
	_ =	sdelay $0x3  }
0x33: {  	p0 =	seq.s32 s10, $0x1;
	s10 =	sld [smem:$0x3FBA];
	_ =	sdelay $0x3  }
0x34: {  	[smem:$0x3FBA] =	sst s10  }
0x35: {  	s10 =	sld [smem:$0x3FB9];
	_ =	sdelay $0x3  }
0x36: {  	p1 =	seq.s32 s10, $0x1;
	s10 =	sld [smem:$0x3FBA];
	_ =	sdelay $0x3  }
0x37: {  	[smem:$0x3FBA] =	sst s10  }
0x38: {  	s10 =	sld [smem:$0x3FBB]  }
0x39: {  	_ = 	snop;
	(pc) =	sbr.ind lr, $3  }
0x3a: {  	_ = 	snop  }
0x3b: {  	_ = 	snop  }
0x3c: {  	p2 =	seq.s32 s10, $0x1;
	s10 =	sld [smem:$0x3FBA]  }
0x3d: {  	_ =	shalt  }
0x3e: {  	_ =	shalt  }
0x3f: {  	_ =	shalt  }
0x40: {  	_ =	shalt  }
0x41: {  	_ =	shalt  }
0x42: {  	_ =	shalt  }
0x43: {  	_ =	shalt  }
0x44: {  	_ =	shalt  }
0x45: {  	_ =	shalt  }
0x46: {  	_ =	shalt  }
0x47: {  	_ =	shalt  }
0x48: {  	_ =	shalt  }
0x49: {  	_ =	shalt  }
0x4a: {  	_ =	shalt  }
0x4b: {  	_ =	shalt  }
0x4c: {  	_ =	shalt  }
0x4d: {  	_ =	shalt  }
0x4e: {  	_ =	shalt  }
0x4f: {  	_ =	shalt  }
0x50: {  	_ =	shalt  }
0x51: {  	_ =	shalt  }
0x52: {  	_ =	shalt  }
0x53: {  	_ =	shalt  }
0x54: {  	_ =	shalt  }
0x55: {  	_ =	shalt  }
0x56: {  	_ =	shalt  }
0x57: {  	_ =	shalt  }
0x58: {  	_ =	shalt  }
0x59: {  	_ =	shalt  }
0x5a: {  	_ =	shalt  }
0x5b: {  	_ =	shalt  }
0x5c: {  	_ =	shalt  }
0x5d: {  	_ =	shalt  }
0x5e: {  	_ =	shalt  }
0x5f: {  	_ =	shalt  }
0x60: {  	_ =	shalt  }
0x61: {  	_ =	shalt  }
0x62: {  	_ =	shalt  }
0x63: {  	_ =	shalt  }
0x64: {  	_ =	shalt  }
0x65: {  	_ =	shalt  }
0x66: {  	_ =	shalt  }
0x67: {  	_ =	shalt  }
0x68: {  	_ =	shalt  }
0x69: {  	_ =	shalt  }
0x6a: {  	_ =	shalt  }
0x6b: {  	_ =	shalt  }
0x6c: {  	_ =	shalt  }
0x6d: {  	_ =	shalt  }
0x6e: {  	_ =	shalt  }
0x6f: {  	_ =	shalt  }
0x70: {  	_ =	shalt  }
0x71: {  	_ =	shalt  }
0x72: {  	_ =	shalt  }
0x73: {  	_ =	shalt  }
0x74: {  	_ =	shalt  }
0x75: {  	_ =	shalt  }
0x76: {  	_ =	shalt  }
0x77: {  	_ =	shalt  }
0x78: {  	_ =	shalt  }
0x79: {  	_ =	shalt  }
0x7a: {  	_ =	shalt  }
0x7b: {  	_ =	shalt  }
0x7c: {  	_ =	shalt  }
0x7d: {  	_ =	shalt  }
0x7e: {  	_ =	shalt  }
0x7f: {  	_ =	shalt  }
0x80: {  	_ =	shalt  }
0x81: {  	_ =	shalt  }
0x82: {  	_ =	shalt  }
0x83: {  	_ =	shalt  }
0x84: {  	_ =	shalt  }
0x85: {  	_ =	shalt  }
0x86: {  	_ =	shalt  }
0x87: {  	_ =	shalt  }
.Lfunc_end0:
.L_simem_size_0:
called_computation_lowered:
.L_overlay_start_0:
0x88: {  	s2 =	sld [smem:$0x3FD9]  }
0x89: {  	s3 =	sld [smem:$0x3FFE];
	_ =	sdelay $0x1  }
0x8a: {  	s1 =	srdreg.scid  }
0x8b: {  	s0 =	sand.u32 $0x1, s1  }
0x8c: {  	s14 =	sshll.u32 s0, $0xA;
	s2 =	sadd.s32 s3, s2  }
0x8d: {  	s2 =	sadd.s32 s2, s14  }
0x8e: {  	[smem:$0x3FC6] =	sst s2  }
0x8f: {  	_ = 	snop  }
0x90: {  	s2 =	sld [smem:$0x3FD0];
	_ =	sdelay $0x2  }
0x91: {  	s4 =	simm.s32 $0xA;
	s5 =	simm.s32 $0x10;
	s15 =	sld [smem:$0x3FC8]  }
0x92: {  	[smem:s5], [sflag:s4] =	dma.local [hbm:s2], $0x1  }
0x93: {  	_ =	swait.eq [sflag:s4], $0x1  }
0x94: {  	[sflag:s4] =	ssyncset.done $0x0  }
0x95: {  	[sflag:s4] =	ssyncadd.s32 $0xFFFFFFFF  }
0x96: {  	s16 =	sld [smem:$0x10];
	(tm) =	ssettm $0x1  }
0x97: {  	s17 =	sld [smem:$0x3FFB];
	_ =	sdelay $0x3  }
0x98: {  	_ =	strace s17  }
0x99: {  	s4 =	sld [smem:$0x3FFC];
	_ =	sdelay $0x3  }
0x9a: {  	_ =	strace s4  }
0x9b: {  	s4 =	sld [smem:$0x3FFD];
	_ =	sdelay $0x3  }
0x9c: {  	_ =	strace s4  }
0x9d: {  	_ =	strace $0x8FFFFFFF  }
0x9e: {  	s18 =	sld [smem:$0x3FDB];
	_ =	sdelay $0x1  }
0x9f: {  	s19 =	simm.s32 $_scs_section_size  }
0xa0: {  	s6 =	simm.s32 $_size__tile_overlayer_lowered;
	s7 =	simm.s32 $_tile_overlayer_lowered  }
0xa1: {  	s22 =	simm.s32 $0x1BFF;
	s21 =	sshll.u32 s7, $0x1;
	s4 =	sadd.s32 s19, s18  }
0xa2: {  	s8 =	simm.s32 $0x0;
	s20 =	sshll.u32 s6, $0x1;
	s6 =	sadd.s32 s21, s4  }
0xa3: {  	[timem:s8], [sflag:s22] =	dma.local [hbm:s6], s20  }
0xa4: {  	_ =	swait.ge [sflag:s22], s20  }
0xa5: {  	s5 =	ssub.s32 $0x0, s20;
	[sflag:s22] =	ssyncset.done $0x0  }
0xa6: {  	[sflag:s22] =	ssyncadd.s32 s5;
	_ =	sdelay $0x1  }
0xa7: {  	s23 =	simm.s32 $0x1B8B  }
0xa8: {  	_ =	swait.ge [sflag:s23], $0x1  }
0xa9: {  	[sflag:s23] =	ssyncset.done $0x0  }
0xaa: {  	s25 =	simm.s32 $0x1B8E;
	s24 =	sld [smem:$0x3FFE];
	[sflag:s23] =	ssyncadd.s32 $0xFFFFFFFF  }
0xab: {  	s26 =	simm.s32 $execute0_lowered;
	[smem:$0x3FD2] =	sst s25  }
0xac: {  	s6 =	sshll.u32 s26, $0x1;
	_ =	strace $0x80000046;
	[dreg:$0x1] =	wrdreg $0xFFFFFFFF  }
0xad: {  	s28 =	simm.s32 $_size_execute0_lowered;
	s4 =	sadd.s32 s4, s6;
	[dreg:$0x0] =	wrdreg $0x0  }
0xae: {  	s6 =	sshll.u32 s28, $0x1;
	[dreg:$0x2] =	wrdreg s4  }
0xaf: {  	[dreg:$0x3] =	wrdreg s6  }
0xb0: {  	[dreg:$0x4] =	wrdreg $0xC0  }
0xb1: {  	_ =	task [dreg:s8], $0x5FFFF  }
0xb2: {  	[dreg:$0x1] =	wrdreg $0xFFFFFFFF  }
0xb3: {  	[dreg:$0x0] =	wrdreg $0x60  }
0xb4: {  	[dreg:$0x2] =	wrdreg s15  }
0xb5: {  	[dreg:$0x3] =	wrdreg s24  }
0xb6: {  	[dreg:$0x4] =	wrdreg s16  }
0xb7: {  	[dreg:$0x5] =	wrdreg $0x9  }
0xb8: {  	_ =	task.clear_ibuf [dreg:s8], $0x6FFFF;
	_ =	strace $0x90000046  }
0xb9: {  	s29 =	simm.s32 $0x9;
	_ =	strace $0x80000048  }
0xba: {  	_ =	swait.ge [sflag:s29], $0x1  }
0xbb: {  	[sflag:s29] =	ssyncadd.s32 $0xFFFFFFFF  }
0xbc: {  	_ =	strace $0x90000048  }
0xbd: {  	_ =	sfence  }
0xbe: {  	s30 =	sld [smem:$0x0];
	_ =	sdelay $0x2  }
0xbf: {  	s31 =	sshll.u32 s1, $0xD;
	s1 =	sshrl.u32 s1, $0x2  }
0xc0: {  	s3 =	sand.u32 $0x4000, s31;
	s1 =	sadd.s32 s1, s30  }
0xc1: {  	s0 =	sor.u32 s3, s0;
	s1 =	sshll.u32 s1, $0x11  }
0xc2: {  	s0 =	sor.u32 s1, s0  }
0xc3: {  	s0 =	sadd.s32 $0x8F2B, s0  }
0xc4: {  	[sflag:s0] =	ssyncadd.remote.s32 $0x1  }
0xc5: {  	_ =	sfence.sel $0xFFFF  }
0xc6: {  	[dreg:$0x0] =	wrdreg $0xFFFFFFFF;
	(pc) =	sbr.abs _section_cstart, $3  }
0xc7: {  	[dreg:$0x1] =	wrdreg $0xFFFFFFFF  }
0xc8: {  	_ =	task.clear_ibuf [dreg:s8], $0x2FFFF;
	_ =	strace $0x9FFFFFFF  }
0xc9: {  	(tm) =	ssettm $0x7FFFFFFF  }
tec
execute0_lowered:
.L_overlay_start_1:
0x0: {  	(tag) =	ssettag $0x1  }
0x1: {  	s1 =	rddreg [dreg:$0x0]  }
0x2: {  	s2 =	srdreg.scid;
	s4 =	rddreg [dreg:$0x1]  }
0x3: {  	s0 =	stileid.u32;
	s6 =	rddreg [dreg:$0x2];
	s19 =	simm.s32 $0x900  }
0x4: {  	s20 =	simm.s32 $0x1100;
	s21 =	simm.s32 $0x1900;
	s23 =	simm.s32 $0x2100  }
0x5: {  	s24 =	simm.s32 $0x2900;
	s25 =	simm.s32 $0x3100;
	s26 =	simm.s32 $0x3900  }
0x6: {  	s8 =	simm.s32 $0x4900;
	s9 =	simm.s32 $0x5100;
	s10 =	simm.s32 $0x5900  }
0x7: {  	s11 =	simm.s32 $0x6100;
	s12 =	simm.s32 $0x6900;
	s13 =	simm.s32 $0x7100  }
0x8: {  	s14 =	simm.s32 $0x7900;
	s15 =	simm.s32 $0x8100;
	s2 =	sand.u32 $0x1, s2  }
0x9: {  	s16 =	simm.s32 $0x8900;
	s3 =	sshll.u32 s0, $0x9;
	s5 =	sshll.u32 s2, $0x8  }
0xa: {  	s17 =	simm.s32 $0x9100;
	s5 =	sor.u32 s5, s3;
	s3 =	simm.s32 $0x0  }
0xb: {  	s28 =	simm.s32 $0xE100;
	s29 =	simm.s32 $0xE900;
	[smem:$0x7FF] =	sst s3  }
0xc: {  	s30 =	simm.s32 $0xF100;
	_ =	strace $0x80000047;
	[dreg:$0x6] =	wrdreg s19  }
0xd: {  	s31 =	simm.s32 $0xF900;
	s2 =	ssub.s32 $0x2, s2;
	[dreg:$0x7] =	wrdreg s20  }
0xe: {  	s22 =	sshrl.u32 s2, $0x1;
	s7 =	sshrl.u32 s5, $0x3;
	[dreg:$0x8] =	wrdreg s21  }
0xf: {  	s5 =	sshll.u32 s5, $0x5;
	s2 =	ssub.s32 s2, s22;
	[dreg:$0x9] =	wrdreg s23  }
0x10: {  	s22 =	simm.s32 $0xB900;
	s4 =	sadd.s32 s7, s4;
	[dreg:$0xa] =	wrdreg s24  }
0x11: {  	s18 =	sadd.s32 s6, s5;
	s5 =	simm.s32 $0x2;
	[dreg:$0xb] =	wrdreg s25  }
0x12: {  	s6 =	simm.s32 $0x100;
	[dreg:$0xc] =	wrdreg s26;
	s19 =	simm.s32 $0xA100  }
0x13: {  	s20 =	simm.s32 $0xA900;
	s21 =	simm.s32 $0xB100;
	s23 =	simm.s32 $0xC100  }
0x14: {  	v2 =	vlaneseq.u32;
	s24 =	simm.s32 $0xC900;
	s25 =	simm.s32 $0xD100;
	s26 =	simm.s32 $0xD900  }
0x15: {  	vm0 =	vmmov $0xffff;
	v1 =	vshrl.u32 v2, $0x3;
	s4 =	sadd.s32 $0x200, s4;
	[dreg:$0x5] =	wrdreg s18;
	s18 =	simm.s32 $0x9900  }
0x16: {  	v0 =	vand.u32 $0x7, v2;
	v2 =	vor.u32 $0x8, v2;
	v1 =	vmul.u32 $0x8, v1;
	[dreg:$0x4] =	wrdreg s4;
	s4 =	smax.u32 s2, $0x1;
	s2 =	simm.s32 $0x1  }
.LBB2_1:
0x17: {  	s0 =	rddreg [dreg:$0x4]  }
0x18: {  	[tilespmem:s3], [sflag:$0x2] =	stream.linear.gather [hbm4b:s0+s3], $0x100, $0x38;
	[tilespmem:$0x10100] =	vst v63  }
0x19: {  	_ =	swait.ge [sflag:s5], $0x100  }
0x1a: {  	[sflag:s5] =	ssyncset.done $0x0  }
0x1b: {  	[sflag:s5] =	ssyncadd.s32 $0xFFFFFF00  }
0x1c: {  	v3 =	vld [tilespmem:$0x0];
	_ =	sdelay $0x4  }
0x1d: {  	v4 =	vshll.u32 v3, $0x1  }
0x1e: {  	v3 =	vand.u32 $0x7, v3;
	v4 =	vand.u32 $0xFFFFFFF0, v4  }
0x1f: {  	v3 =	vor.u32 v3, v4  }
0x20: {  	v4 =	vperm.xlane v3, v0;
	_ =	sdelay $0x1  }
0x21: {  	v3 =	vperm.xlane v3, v2;
	v4 =	vadd.s32 v1, v4;
	_ =	sdelay $0x1  }
0x22: {  	v3 =	vadd.s32 v1, v3;
	_ =	sdelay $0x2  }
0x23: {  	[tilespmem:s6], [sflag:$0x1] =	stream.indirect_vreg.gather [hbm4b:s1+s3], $0x80, v4, vm0, $0xb8;
	[tilespmem:$0x10100] =	vst v63  }
0x24: {  	s7 =	rddreg [dreg:$0x6]  }
0x25: {  	[tilespmem:s7], [sflag:$0x1] =	stream.indirect_vreg.gather [hbm4b:s1+s3], $0x80, v3, vm0, $0xb8;
	[tilespmem:$0x10100] =	vst v63  }
0x26: {  	v3 =	vld [tilespmem:$0x10];
	_ =	sdelay $0x4  }
0x27: {  	v49 =	vshll.u32 v3, $0x1  }
0x28: {  	v3 =	vand.u32 $0x7, v3;
	v4 =	vand.u32 $0xFFFFFFF0, v49  }
0x29: {  	v3 =	vor.u32 v3, v4  }
0x2a: {  	v4 =	vperm.xlane v3, v0;
	_ =	sdelay $0x1  }
0x2b: {  	v3 =	vperm.xlane v3, v2;
	v4 =	vadd.s32 v1, v4;
	_ =	sdelay $0x1  }
0x2c: {  	v3 =	vadd.s32 v1, v3;
	_ =	sdelay $0x1  }
0x2d: {  	s0 =	rddreg [dreg:$0x7]  }
0x2e: {  	[tilespmem:s0], [sflag:$0x1] =	stream.indirect_vreg.gather [hbm4b:s1+s3], $0x80, v4, vm0, $0xb8;
	[tilespmem:$0x10100] =	vst v63  }
0x2f: {  	s7 =	rddreg [dreg:$0x8]  }
0x30: {  	[tilespmem:s7], [sflag:$0x1] =	stream.indirect_vreg.gather [hbm4b:s1+s3], $0x80, v3, vm0, $0xb8;
	[tilespmem:$0x10100] =	vst v63  }
0x31: {  	v3 =	vld [tilespmem:$0x20];
	_ =	sdelay $0x4  }
0x32: {  	v50 =	vshll.u32 v3, $0x1  }
0x33: {  	v3 =	vand.u32 $0x7, v3;
	v4 =	vand.u32 $0xFFFFFFF0, v50  }
0x34: {  	v3 =	vor.u32 v3, v4  }
0x35: {  	v4 =	vperm.xlane v3, v0;
	_ =	sdelay $0x1  }
0x36: {  	v3 =	vperm.xlane v3, v2;
	v4 =	vadd.s32 v1, v4;
	_ =	sdelay $0x1  }
0x37: {  	v3 =	vadd.s32 v1, v3;
	_ =	sdelay $0x1  }
0x38: {  	s0 =	rddreg [dreg:$0x9]  }
0x39: {  	[tilespmem:s0], [sflag:$0x1] =	stream.indirect_vreg.gather [hbm4b:s1+s3], $0x80, v4, vm0, $0xb8;
	[tilespmem:$0x10100] =	vst v63  }
0x3a: {  	s7 =	rddreg [dreg:$0xa]  }
0x3b: {  	[tilespmem:s7], [sflag:$0x1] =	stream.indirect_vreg.gather [hbm4b:s1+s3], $0x80, v3, vm0, $0xb8;
	[tilespmem:$0x10100] =	vst v63  }
0x3c: {  	v3 =	vld [tilespmem:$0x30];
	_ =	sdelay $0x4  }
0x3d: {  	v51 =	vshll.u32 v3, $0x1  }
0x3e: {  	v3 =	vand.u32 $0x7, v3;
	v4 =	vand.u32 $0xFFFFFFF0, v51  }
0x3f: {  	v3 =	vor.u32 v3, v4  }
0x40: {  	v4 =	vperm.xlane v3, v0;
	_ =	sdelay $0x1  }
0x41: {  	v3 =	vperm.xlane v3, v2;
	v4 =	vadd.s32 v1, v4;
	_ =	sdelay $0x1  }
0x42: {  	v3 =	vadd.s32 v1, v3;
	_ =	sdelay $0x1  }
0x43: {  	s0 =	rddreg [dreg:$0xb]  }
0x44: {  	[tilespmem:s0], [sflag:$0x1] =	stream.indirect_vreg.gather [hbm4b:s1+s3], $0x80, v4, vm0, $0xb8;
	[tilespmem:$0x10100] =	vst v63  }
0x45: {  	s7 =	rddreg [dreg:$0xc]  }
0x46: {  	[tilespmem:s7], [sflag:$0x1] =	stream.indirect_vreg.gather [hbm4b:s1+s3], $0x80, v3, vm0, $0xb8;
	[tilespmem:$0x10100] =	vst v63  }
0x47: {  	v3 =	vld [tilespmem:$0x40];
	_ =	sdelay $0x4  }
0x48: {  	v52 =	vshll.u32 v3, $0x1  }
0x49: {  	v3 =	vand.u32 $0x7, v3;
	v4 =	vand.u32 $0xFFFFFFF0, v52  }
0x4a: {  	v3 =	vor.u32 v3, v4  }
0x4b: {  	v4 =	vperm.xlane v3, v0;
	_ =	sdelay $0x1  }
0x4c: {  	v3 =	vperm.xlane v3, v2;
	v4 =	vadd.s32 v1, v4;
	_ =	sdelay $0x1  }
0x4d: {  	v3 =	vadd.s32 v1, v3;
	_ =	sdelay $0x1  }
0x4e: {  	s7 =	simm.s32 $0x4100  }
0x4f: {  	[tilespmem:s7], [sflag:$0x1] =	stream.indirect_vreg.gather [hbm4b:s1+s3], $0x80, v4, vm0, $0xb8;
	[tilespmem:$0x10100] =	vst v63  }
0x50: {  	_ = 	snop  }
0x51: {  	[tilespmem:s8], [sflag:$0x1] =	stream.indirect_vreg.gather [hbm4b:s1+s3], $0x80, v3, vm0, $0xb8;
	[tilespmem:$0x10100] =	vst v63  }
0x52: {  	v3 =	vld [tilespmem:$0x50];
	_ =	sdelay $0x4  }
0x53: {  	v53 =	vshll.u32 v3, $0x1  }
0x54: {  	v3 =	vand.u32 $0x7, v3;
	v4 =	vand.u32 $0xFFFFFFF0, v53  }
0x55: {  	v3 =	vor.u32 v3, v4  }
0x56: {  	v4 =	vperm.xlane v3, v0;
	_ =	sdelay $0x1  }
0x57: {  	v3 =	vperm.xlane v3, v2;
	v4 =	vadd.s32 v1, v4;
	_ =	sdelay $0x1  }
0x58: {  	v3 =	vadd.s32 v1, v3;
	_ =	sdelay $0x2  }
0x59: {  	[tilespmem:s9], [sflag:$0x1] =	stream.indirect_vreg.gather [hbm4b:s1+s3], $0x80, v4, vm0, $0xb8;
	[tilespmem:$0x10100] =	vst v63  }
0x5a: {  	_ = 	snop  }
0x5b: {  	[tilespmem:s10], [sflag:$0x1] =	stream.indirect_vreg.gather [hbm4b:s1+s3], $0x80, v3, vm0, $0xb8;
	[tilespmem:$0x10100] =	vst v63  }
0x5c: {  	v3 =	vld [tilespmem:$0x60];
	_ =	sdelay $0x4  }
0x5d: {  	v54 =	vshll.u32 v3, $0x1  }
0x5e: {  	v3 =	vand.u32 $0x7, v3;
	v4 =	vand.u32 $0xFFFFFFF0, v54  }
0x5f: {  	v3 =	vor.u32 v3, v4  }
0x60: {  	v4 =	vperm.xlane v3, v0;
	_ =	sdelay $0x1  }
0x61: {  	v3 =	vperm.xlane v3, v2;
	v4 =	vadd.s32 v1, v4;
	_ =	sdelay $0x1  }
0x62: {  	v3 =	vadd.s32 v1, v3;
	_ =	sdelay $0x2  }
0x63: {  	[tilespmem:s11], [sflag:$0x1] =	stream.indirect_vreg.gather [hbm4b:s1+s3], $0x80, v4, vm0, $0xb8;
	[tilespmem:$0x10100] =	vst v63  }
0x64: {  	_ = 	snop  }
0x65: {  	[tilespmem:s12], [sflag:$0x1] =	stream.indirect_vreg.gather [hbm4b:s1+s3], $0x80, v3, vm0, $0xb8;
	[tilespmem:$0x10100] =	vst v63  }
0x66: {  	v3 =	vld [tilespmem:$0x70];
	_ =	sdelay $0x4  }
0x67: {  	v55 =	vshll.u32 v3, $0x1  }
0x68: {  	v3 =	vand.u32 $0x7, v3;
	v4 =	vand.u32 $0xFFFFFFF0, v55  }
0x69: {  	v3 =	vor.u32 v3, v4  }
0x6a: {  	v4 =	vperm.xlane v3, v0;
	_ =	sdelay $0x1  }
0x6b: {  	v3 =	vperm.xlane v3, v2;
	v4 =	vadd.s32 v1, v4;
	_ =	sdelay $0x1  }
0x6c: {  	v3 =	vadd.s32 v1, v3;
	_ =	sdelay $0x2  }
0x6d: {  	[tilespmem:s13], [sflag:$0x1] =	stream.indirect_vreg.gather [hbm4b:s1+s3], $0x80, v4, vm0, $0xb8;
	[tilespmem:$0x10100] =	vst v63  }
0x6e: {  	_ = 	snop  }
0x6f: {  	[tilespmem:s14], [sflag:$0x1] =	stream.indirect_vreg.gather [hbm4b:s1+s3], $0x80, v3, vm0, $0xb8;
	[tilespmem:$0x10100] =	vst v63  }
0x70: {  	v3 =	vld [tilespmem:$0x80];
	_ =	sdelay $0x4  }
0x71: {  	v56 =	vshll.u32 v3, $0x1  }
0x72: {  	v3 =	vand.u32 $0x7, v3;
	v4 =	vand.u32 $0xFFFFFFF0, v56  }
0x73: {  	v3 =	vor.u32 v3, v4  }
0x74: {  	v4 =	vperm.xlane v3, v0;
	_ =	sdelay $0x1  }
0x75: {  	v3 =	vperm.xlane v3, v2;
	v4 =	vadd.s32 v1, v4;
	_ =	sdelay $0x1  }
0x76: {  	v3 =	vadd.s32 v1, v3;
	_ =	sdelay $0x2  }
0x77: {  	[tilespmem:s15], [sflag:$0x1] =	stream.indirect_vreg.gather [hbm4b:s1+s3], $0x80, v4, vm0, $0xb8;
	[tilespmem:$0x10100] =	vst v63  }
0x78: {  	_ = 	snop  }
0x79: {  	[tilespmem:s16], [sflag:$0x1] =	stream.indirect_vreg.gather [hbm4b:s1+s3], $0x80, v3, vm0, $0xb8;
	[tilespmem:$0x10100] =	vst v63  }
0x7a: {  	v3 =	vld [tilespmem:$0x90];
	_ =	sdelay $0x4  }
0x7b: {  	v57 =	vshll.u32 v3, $0x1  }
0x7c: {  	v3 =	vand.u32 $0x7, v3;
	v4 =	vand.u32 $0xFFFFFFF0, v57  }
0x7d: {  	v3 =	vor.u32 v3, v4  }
0x7e: {  	v4 =	vperm.xlane v3, v0;
	_ =	sdelay $0x1  }
0x7f: {  	v3 =	vperm.xlane v3, v2;
	v4 =	vadd.s32 v1, v4;
	_ =	sdelay $0x1  }
0x80: {  	v3 =	vadd.s32 v1, v3;
	_ =	sdelay $0x2  }
0x81: {  	[tilespmem:s17], [sflag:$0x1] =	stream.indirect_vreg.gather [hbm4b:s1+s3], $0x80, v4, vm0, $0xb8;
	[tilespmem:$0x10100] =	vst v63  }
0x82: {  	_ = 	snop  }
0x83: {  	[tilespmem:s18], [sflag:$0x1] =	stream.indirect_vreg.gather [hbm4b:s1+s3], $0x80, v3, vm0, $0xb8;
	[tilespmem:$0x10100] =	vst v63  }
0x84: {  	v3 =	vld [tilespmem:$0xA0];
	_ =	sdelay $0x4  }
0x85: {  	v58 =	vshll.u32 v3, $0x1  }
0x86: {  	v3 =	vand.u32 $0x7, v3;
	v4 =	vand.u32 $0xFFFFFFF0, v58  }
0x87: {  	v3 =	vor.u32 v3, v4  }
0x88: {  	v4 =	vperm.xlane v3, v0;
	_ =	sdelay $0x1  }
0x89: {  	v3 =	vperm.xlane v3, v2;
	v4 =	vadd.s32 v1, v4;
	_ =	sdelay $0x1  }
0x8a: {  	v3 =	vadd.s32 v1, v3;
	_ =	sdelay $0x2  }
0x8b: {  	[tilespmem:s19], [sflag:$0x1] =	stream.indirect_vreg.gather [hbm4b:s1+s3], $0x80, v4, vm0, $0xb8;
	[tilespmem:$0x10100] =	vst v63  }
0x8c: {  	_ = 	snop  }
0x8d: {  	[tilespmem:s20], [sflag:$0x1] =	stream.indirect_vreg.gather [hbm4b:s1+s3], $0x80, v3, vm0, $0xb8;
	[tilespmem:$0x10100] =	vst v63  }
0x8e: {  	v3 =	vld [tilespmem:$0xB0];
	_ =	sdelay $0x4  }
0x8f: {  	v59 =	vshll.u32 v3, $0x1  }
0x90: {  	v3 =	vand.u32 $0x7, v3;
	v4 =	vand.u32 $0xFFFFFFF0, v59  }
0x91: {  	v3 =	vor.u32 v3, v4  }
0x92: {  	v4 =	vperm.xlane v3, v0;
	_ =	sdelay $0x1  }
0x93: {  	v3 =	vperm.xlane v3, v2;
	v4 =	vadd.s32 v1, v4;
	_ =	sdelay $0x1  }
0x94: {  	v3 =	vadd.s32 v1, v3;
	_ =	sdelay $0x2  }
0x95: {  	[tilespmem:s21], [sflag:$0x1] =	stream.indirect_vreg.gather [hbm4b:s1+s3], $0x80, v4, vm0, $0xb8;
	[tilespmem:$0x10100] =	vst v63  }
0x96: {  	_ = 	snop  }
0x97: {  	[tilespmem:s22], [sflag:$0x1] =	stream.indirect_vreg.gather [hbm4b:s1+s3], $0x80, v3, vm0, $0xb8;
	[tilespmem:$0x10100] =	vst v63  }
0x98: {  	v3 =	vld [tilespmem:$0xC0];
	_ =	sdelay $0x4  }
0x99: {  	v60 =	vshll.u32 v3, $0x1  }
0x9a: {  	v3 =	vand.u32 $0x7, v3;
	v4 =	vand.u32 $0xFFFFFFF0, v60  }
0x9b: {  	v3 =	vor.u32 v3, v4  }
0x9c: {  	v4 =	vperm.xlane v3, v0;
	_ =	sdelay $0x1  }
0x9d: {  	v3 =	vperm.xlane v3, v2;
	v4 =	vadd.s32 v1, v4;
	_ =	sdelay $0x1  }
0x9e: {  	v3 =	vadd.s32 v1, v3;
	_ =	sdelay $0x2  }
0x9f: {  	[tilespmem:s23], [sflag:$0x1] =	stream.indirect_vreg.gather [hbm4b:s1+s3], $0x80, v4, vm0, $0xb8;
	[tilespmem:$0x10100] =	vst v63  }
0xa0: {  	_ = 	snop  }
0xa1: {  	[tilespmem:s24], [sflag:$0x1] =	stream.indirect_vreg.gather [hbm4b:s1+s3], $0x80, v3, vm0, $0xb8;
	[tilespmem:$0x10100] =	vst v63  }
0xa2: {  	v3 =	vld [tilespmem:$0xD0];
	_ =	sdelay $0x4  }
0xa3: {  	v61 =	vshll.u32 v3, $0x1  }
0xa4: {  	v3 =	vand.u32 $0x7, v3;
	v4 =	vand.u32 $0xFFFFFFF0, v61  }
0xa5: {  	v3 =	vor.u32 v3, v4  }
0xa6: {  	v4 =	vperm.xlane v3, v0;
	_ =	sdelay $0x1  }
0xa7: {  	v3 =	vperm.xlane v3, v2;
	v4 =	vadd.s32 v1, v4;
	_ =	sdelay $0x1  }
0xa8: {  	v3 =	vadd.s32 v1, v3;
	_ =	sdelay $0x2  }
0xa9: {  	[tilespmem:s25], [sflag:$0x1] =	stream.indirect_vreg.gather [hbm4b:s1+s3], $0x80, v4, vm0, $0xb8;
	[tilespmem:$0x10100] =	vst v63  }
0xaa: {  	_ = 	snop  }
0xab: {  	[tilespmem:s26], [sflag:$0x1] =	stream.indirect_vreg.gather [hbm4b:s1+s3], $0x80, v3, vm0, $0xb8;
	[tilespmem:$0x10100] =	vst v63  }
0xac: {  	v3 =	vld [tilespmem:$0xE0];
	_ =	sdelay $0x4  }
0xad: {  	v62 =	vshll.u32 v3, $0x1  }
0xae: {  	v3 =	vand.u32 $0x7, v3;
	v4 =	vand.u32 $0xFFFFFFF0, v62  }
0xaf: {  	v3 =	vor.u32 v3, v4  }
0xb0: {  	v4 =	vperm.xlane v3, v0;
	_ =	sdelay $0x1  }
0xb1: {  	v3 =	vperm.xlane v3, v2;
	v4 =	vadd.s32 v1, v4;
	_ =	sdelay $0x1  }
0xb2: {  	v3 =	vadd.s32 v1, v3;
	_ =	sdelay $0x2  }
0xb3: {  	[tilespmem:s28], [sflag:$0x1] =	stream.indirect_vreg.gather [hbm4b:s1+s3], $0x80, v4, vm0, $0xb8;
	[tilespmem:$0x10100] =	vst v63  }
0xb4: {  	_ = 	snop  }
0xb5: {  	[tilespmem:s29], [sflag:$0x1] =	stream.indirect_vreg.gather [hbm4b:s1+s3], $0x80, v3, vm0, $0xb8;
	[tilespmem:$0x10100] =	vst v63  }
0xb6: {  	v3 =	vld [tilespmem:$0xF0];
	_ =	sdelay $0x4  }
0xb7: {  	v63 =	vshll.u32 v3, $0x1  }
0xb8: {  	v3 =	vand.u32 $0x7, v3;
	v4 =	vand.u32 $0xFFFFFFF0, v63  }
0xb9: {  	v3 =	vor.u32 v3, v4  }
0xba: {  	v4 =	vperm.xlane v3, v0;
	_ =	sdelay $0x1  }
0xbb: {  	v3 =	vperm.xlane v3, v2;
	v4 =	vadd.s32 v1, v4;
	_ =	sdelay $0x1  }
0xbc: {  	v3 =	vadd.s32 v1, v3;
	_ =	sdelay $0x2  }
0xbd: {  	[tilespmem:s30], [sflag:$0x1] =	stream.indirect_vreg.gather [hbm4b:s1+s3], $0x80, v4, vm0, $0xb8;
	[tilespmem:$0x10100] =	vst v63  }
0xbe: {  	_ = 	snop  }
0xbf: {  	[tilespmem:s31], [sflag:$0x1] =	stream.indirect_vreg.gather [hbm4b:s1+s3], $0x80, v3, vm0, $0xb8;
	[tilespmem:$0x10100] =	vst v63  }
0xc0: {  	_ =	swait.ge [sflag:s2], $0x10000  }
0xc1: {  	p0 =	sne.s32 s4, $0x1;
	[sflag:s2] =	ssyncset.done $0x0  }
.Ltmp0:
0xc2: {  	s7 =	rddreg [dreg:$0x5];
	[sflag:s2] =	ssyncadd.s32 $0xFFFF0000;
	(pc) =	sbr.rel @p0 .LBB2_1-.Ltmp0, $4  }
0xc3: {  	[hbm4b:s7+s3] =	stream.linear.scatter [tilespmem:s6], [sflag:$0x2], $0x10000, $0x38;
	[tilespmem:$0x10100] =	vst v63  }
0xc4: {  	_ =	swait.ge [sflag:s5], $0x10000  }
0xc5: {  	[sflag:s5] =	ssyncset.done $0x0  }
0xc6: {  	s4 =	sadd.s32 $0xFFFFFFFF, s4;
	[sflag:s5] =	ssyncadd.s32 $0xFFFF0000  }
0xc7: {  	_ =	sfence.sel $0x180000  }
0xc8: {  	[bflag:$0x0] =	sbarrier.arrive $0xFFFF  }
0xc9: {  	_ =	strace $0x90000047  }
0xca: {  	s0 =	stileid.u32;
	[bflag:$0x2] =	sbarrier.arrive $0xFFFF  }
0xcb: {  	p0 =	sne.s32 s0, $0x0;
	s0 =	rddreg [dreg:$0x3]  }
0xcc: {  	s0 =	sadd.s32 @!p0 $0x100000, s0  }
0xcd: {  	[sflag:s0] =	ssyncadd.tile.s32 @!p0 $0x1;
	_ =	shalt  }
.Lfunc_end2:
_tile_overlayer_lowered:
.L_overlay_start_2:
0xce: {  	(tag) =	ssettag $0x2  }
0xcf: {  	s0 =	rddreg [dreg:$0x0];
	s2 =	stileid.u32  }
0xd0: {  	s1 =	rddreg [dreg:$0x1];
	p0 =	sne.s32 s2, $0x0  }
0xd1: {  	s3 =	rddreg [dreg:$0x2];
	[bflag:$0x3] =	sbarrier.arrive $0xFFFF;
	s2 =	simm.s32 @!p0 $0x1C02  }
0xd2: {  	[timem:s3], [sflag:s2] =	dma.local @!p0 [hbm:s0], s1  }
0xd3: {  	s0 =	simm.s32 @!p0 $0x2  }
0xd4: {  	_ =	swait.ge @!p0 [sflag:s0], s1  }
0xd5: {  	s1 =	ssub.s32 @!p0 $0x0, s1;
	[sflag:s0] =	ssyncset.done @!p0 $0x0  }
0xd6: {  	[sflag:s0] =	ssyncadd.s32 @!p0 s1  }
0xd7: {  	[bflag:$0x3] =	sbarrier.arrive $0xFFFF  }
0xd8: {  	_ =	shalt  }

</sc_bundles>
